<compile_context>
chip_gen: v7x
topology: tpu7x:2x2x1
jax: 0.10.2.dev20260603
libtpu: 0.0.44.dev20260713+nightly
codegen_flags: <defaults>
</compile_context>

<pallas_src>
import functools

import jax
import jax.numpy as jnp
from jax import lax
from jax.experimental import pallas as pl
from jax.experimental.pallas import tpu as pltpu
from jax.experimental.pallas import tpu_sc as plsc

N = 10000
E = 320000
NC = 2
NS = 16
NW = NC * NS
K = 128
NCHUNK = 80
EPW = NCHUNK * K
NBUF = 4
NP = 10240
ROWS_PER_SUB = NP // NS


def _sc_mesh():
    return plsc.VectorSubcoreMesh(core_axis_name="c", subcore_axis_name="s")


def _zero_acc(z_v, acc_sh, sid, d):
    def zrow(r, carry):
        for t in range(d // 16):
            z_v[r, pl.ds(t * 16, 16)] = jnp.zeros((16,), jnp.float32)
        return carry

    lax.fori_loop(0, ROWS_PER_SUB, zrow, 0)
    pltpu.sync_copy(z_v, acc_sh.at[pl.ds(sid * ROWS_PER_SUB, ROWS_PER_SUB)])


def _copy_out(acc_sh, out_hbm, cid, sid):
    sl = pl.ds(sid * ROWS_PER_SUB, ROWS_PER_SUB)
    pltpu.sync_copy(acc_sh.at[sl], out_hbm.at[cid, sl])


@functools.partial(jax.jit, static_argnums=(0,))
def _edge_pass(d, rowp, colp, ewp, gp):

    @functools.partial(
        pl.kernel,
        mesh=_sc_mesh(),
        out_type=jax.ShapeDtypeStruct((NC, NP, d), jnp.float32),
        compiler_params=pltpu.CompilerParams(use_tc_tiling_on_sc=False),
        scratch_types=(
            [
                pltpu.VMEM((NCHUNK, K), jnp.int32),
                pltpu.VMEM((NCHUNK, K), jnp.int32),
                pltpu.VMEM((NCHUNK, K), jnp.float32),
            ]
            + [pltpu.VMEM((K, d), jnp.float32) for _ in range(2 * NBUF)]
            + [
                pltpu.VMEM((ROWS_PER_SUB, d), jnp.float32),
                pltpu.VMEM_SHARED((NP, d), jnp.float32),
                pltpu.VMEM_SHARED((N, d), jnp.float32),
            ]
            + [pltpu.SemaphoreType.DMA for _ in range(2 * NBUF)]
        ),
    )
    def k(row_hbm, col_hbm, ew_hbm, gp_hbm, out_hbm, row_v, col_v, ew_v, *rest):
        mins = rest[0:NBUF]
        mouts = rest[NBUF:2 * NBUF]
        z_v = rest[2 * NBUF]
        acc_sh = rest[2 * NBUF + 1]
        gp_sh = rest[2 * NBUF + 2]
        gsems = rest[2 * NBUF + 3:3 * NBUF + 3]
        ssems = rest[3 * NBUF + 3:4 * NBUF + 3]
        cid = lax.axis_index("c")
        sid = lax.axis_index("s")
        wid = cid * NS + sid

        _zero_acc(z_v, acc_sh, sid, d)
        stage = pl.ds(sid * (N // NS), N // NS)
        pltpu.sync_copy(gp_hbm.at[stage], gp_sh.at[stage])
        pltpu.sync_copy(row_hbm.at[wid], row_v)
        pltpu.sync_copy(col_hbm.at[wid], col_v)
        pltpu.sync_copy(ew_hbm.at[wid], ew_v)
        plsc.subcore_barrier()

        for b in range(NBUF):
            pltpu.async_copy(gp_sh.at[row_v.at[b]], mins[b], gsems[b])

        def halfstep(jj, b):
            pltpu.make_async_copy(gp_sh.at[row_v.at[jj]], mins[b], gsems[b]).wait()

            @pl.when(jj >= NBUF)
            def _():
                pltpu.make_async_copy(
                    mouts[b], acc_sh.at[col_v.at[jj - NBUF]], ssems[b]
                ).wait()

            def scale(g, c2):
                ewv = ew_v[jj, pl.ds(g * 16, 16)]
                base = g * 16
                for l in range(16):
                    bc = jnp.full((16,), ewv[l], jnp.float32)
                    e = base + l
                    for t in range(d // 16):
                        mouts[b][e, pl.ds(t * 16, 16)] = (
                            mins[b][e, pl.ds(t * 16, 16)] * bc
                        )
                return c2

            lax.fori_loop(0, K // 16, scale, 0)
            pltpu.async_copy(mouts[b], acc_sh.at[col_v.at[jj]], ssems[b], add=True)

            @pl.when(jj + NBUF < NCHUNK)
            def _():
                pltpu.async_copy(gp_sh.at[row_v.at[jj + NBUF]], mins[b], gsems[b])

        def body(t, carry):
            j0 = t * NBUF
            for b in range(NBUF):
                halfstep(j0 + b, b)
            return carry

        lax.fori_loop(0, NCHUNK // NBUF, body, 0)
        for b in range(NBUF):
            pltpu.make_async_copy(
                mouts[b], acc_sh.at[col_v.at[NCHUNK - NBUF + b]], ssems[b]
            ).wait()
        plsc.subcore_barrier()
        _copy_out(acc_sh, out_hbm, cid, sid)

    return k(rowp, colp, ewp, gp)


@jax.jit
def _deg_pass(colp, ewp):
    d = 16

    @functools.partial(
        pl.kernel,
        mesh=_sc_mesh(),
        out_type=jax.ShapeDtypeStruct((NC, NP, d), jnp.float32),
        compiler_params=pltpu.CompilerParams(use_tc_tiling_on_sc=False),
        scratch_types=[
            pltpu.VMEM((NCHUNK, K), jnp.int32),
            pltpu.VMEM((NCHUNK, K), jnp.float32),
            pltpu.VMEM((K, d), jnp.float32),
            pltpu.VMEM((K, d), jnp.float32),
            pltpu.VMEM((ROWS_PER_SUB, d), jnp.float32),
            pltpu.VMEM_SHARED((NP, d), jnp.float32),
            pltpu.SemaphoreType.DMA,
            pltpu.SemaphoreType.DMA,
        ],
    )
    def k(col_hbm, ew_hbm, out_hbm, col_v, ew_v, mout0, mout1, z_v, acc_sh,
          ssem0, ssem1):
        cid = lax.axis_index("c")
        sid = lax.axis_index("s")
        wid = cid * NS + sid
        mouts = (mout0, mout1)
        ssems = (ssem0, ssem1)

        _zero_acc(z_v, acc_sh, sid, d)
        pltpu.sync_copy(col_hbm.at[wid], col_v)
        pltpu.sync_copy(ew_hbm.at[wid], ew_v)
        plsc.subcore_barrier()

        def halfstep(jj, b):
            @pl.when(jj >= 2)
            def _():
                pltpu.make_async_copy(
                    mouts[b], acc_sh.at[col_v.at[jj - 2]], ssems[b]
                ).wait()

            def fill(g, c2):
                ewv = ew_v[jj, pl.ds(g * 16, 16)]
                base = g * 16
                for l in range(16):
                    mouts[b][base + l, pl.ds(0, 16)] = jnp.full(
                        (16,), ewv[l], jnp.float32
                    )
                return c2

            lax.fori_loop(0, K // 16, fill, 0)
            pltpu.async_copy(mouts[b], acc_sh.at[col_v.at[jj]], ssems[b], add=True)

        def body(t, carry):
            j2 = t * 2
            halfstep(j2, 0)
            halfstep(j2 + 1, 1)
            return carry

        lax.fori_loop(0, NCHUNK // 2, body, 0)
        pltpu.make_async_copy(mouts[0], acc_sh.at[col_v.at[NCHUNK - 2]], ssems[0]).wait()
        pltpu.make_async_copy(mouts[1], acc_sh.at[col_v.at[NCHUNK - 1]], ssems[1]).wait()
        plsc.subcore_barrier()
        _copy_out(acc_sh, out_hbm, cid, sid)

    return k(colp, ewp)


def _tc_first(x, W, deg_partials):
    def body(x_ref, w_ref, p_ref, o_ref, d_ref):
        deg = p_ref[0, :N, 0:1] + p_ref[1, :N, 0:1] + 1.0
        d_ref[...] = jnp.where(deg > 0, lax.rsqrt(jnp.maximum(deg, 1e-12)), 0.0)
        o_ref[...] = (
            jnp.dot(x_ref[...], w_ref[...], preferred_element_type=jnp.float32)
            * d_ref[...]
        )

    return pl.pallas_call(
        body,
        out_shape=(
            jax.ShapeDtypeStruct((N, W.shape[1]), jnp.float32),
            jax.ShapeDtypeStruct((N, 1), jnp.float32),
        ),
    )(x, W, deg_partials)


def _tc_mid(p, gp, dis2, b, W):
    def body(p_ref, gp_ref, d_ref, b_ref, w_ref, o_ref):
        s = (p_ref[0, :N] + p_ref[1, :N] + gp_ref[...]) * d_ref[...] + b_ref[...]
        h = jnp.maximum(s, 0.0)
        o_ref[...] = (
            jnp.dot(h, w_ref[...], preferred_element_type=jnp.float32) * d_ref[...]
        )

    return pl.pallas_call(
        body, out_shape=jax.ShapeDtypeStruct((N, W.shape[1]), jnp.float32)
    )(p, gp, dis2, b, W)


def _tc_final(p, gp, dis2, b):
    def body(p_ref, gp_ref, d_ref, b_ref, o_ref):
        o_ref[...] = (p_ref[0, :N] + p_ref[1, :N] + gp_ref[...]) * d_ref[...] + b_ref[...]

    return pl.pallas_call(
        body, out_shape=jax.ShapeDtypeStruct((N, b.shape[1]), jnp.float32)
    )(p, gp, dis2, b)


def kernel(x, edge_index, edge_weight, W1, b1, W2, b2, W3, b3, W4, b4, W5, b5, W6, b6):
    row = edge_index[0]
    col = edge_index[1]
    pad = NW * EPW - E
    rowp = jnp.pad(row, (0, pad)).reshape(NW, NCHUNK, K)
    colp = jnp.pad(col, (0, pad)).reshape(NW, NCHUNK, K)
    ewp = jnp.pad(edge_weight, (0, pad)).reshape(NW, NCHUNK, K)

    deg_partials = _deg_pass(colp, ewp)

    Ws = [W1, W2, W3, W4, W5, W6]
    bs = [b1, b2, b3, b4, b5, b6]

    gp, dis2 = _tc_first(x, Ws[0], deg_partials)
    for i in range(6):
        d = Ws[i].shape[1]
        p = _edge_pass(d, rowp, colp, ewp, gp)
        b2d = bs[i].reshape(1, -1)
        if i < 5:
            gp = _tc_mid(p, gp, dis2, b2d, Ws[i + 1])
        else:
            out = _tc_final(p, gp, dis2, b2d)
    return out

# --- scband reference (transcript-rebuilt; emitter-appended) ---
"""Pipeline reference for scband-simple-rec-gnn-13898514170321 (READ-ONLY COPY).

The authoritative reference and input builder live on the scoring server;
editing this copy changes nothing except your own understanding.
"""

import jax, jax.numpy as jnp
import numpy as np

N = 10000
E = 320000
DIMS = [128, 32, 32, 32, 32, 32, 16]


def setup_inputs(seed: int = 0):
    key = jax.random.key(seed)
    ks = jax.random.split(key, 20)
    inp = {}
    inp['x'] = jax.random.normal(ks[0], (N, DIMS[0]), dtype=jnp.float32)
    inp['edge_index'] = jax.random.randint(ks[1], (2, E), 0, N, dtype=jnp.int32)
    inp['edge_weight'] = jax.random.uniform(ks[2], (E,), dtype=jnp.float32)
    for i in range(6):
        fan_in, fan_out = DIMS[i], DIMS[i + 1]
        bound = 1.0 / np.sqrt(fan_in)
        inp['W%d' % (i + 1)] = jax.random.uniform(ks[3 + 2 * i], (fan_in, fan_out), minval=-bound, maxval=bound, dtype=jnp.float32)
        inp['b%d' % (i + 1)] = jax.random.uniform(ks[4 + 2 * i], (fan_out,), minval=-bound, maxval=bound, dtype=jnp.float32)
    return inp


def gcn_conv(x, edge_index, edge_weight, W, b):
    # PyG-style GCNConv: add self-loops, symmetric normalization, linear, scatter-add aggregate, bias
    row, col = edge_index[0], edge_index[1]
    loop = jnp.arange(N, dtype=row.dtype)
    row = jnp.concatenate([row, loop])
    col = jnp.concatenate([col, loop])
    ew = jnp.concatenate([edge_weight, jnp.ones((N,), dtype=edge_weight.dtype)])
    deg = jnp.zeros((N,), dtype=jnp.float32).at[col].add(ew)
    deg_inv_sqrt = jnp.where(deg > 0, jax.lax.rsqrt(jnp.maximum(deg, 1e-12)), 0.0)
    norm = deg_inv_sqrt[row] * ew * deg_inv_sqrt[col]
    h = x @ W
    msg = h[row] * norm[:, None]
    out = jnp.zeros((N, W.shape[1]), dtype=jnp.float32).at[col].add(msg)
    return out + b


def reference(x, edge_index, edge_weight, W1, b1, W2, b2, W3, b3, W4, b4, W5, b5, W6, b6):
    Ws = [W1, W2, W3, W4, W5, W6]
    bs = [b1, b2, b3, b4, b5, b6]
    h = x
    for i in range(6):
        h = gcn_conv(h, edge_index, edge_weight, Ws[i], bs[i])
        if i < 5:
            h = jax.nn.relu(h)
            # dropout is identity in eval mode
    return h

if __name__ == "__main__":
    import jax
    _d = setup_inputs()
    print(jax.jit(kernel)(*tuple(_d.values())))

</pallas_src>

<mosaic_0001>
#map = affine_map<(d0, d1) -> (0, 0, 0)>
module attributes {stable_mosaic.version = 14 : i64} {
  func.func @k(%arg0: i32, %arg1: i32, %arg2: memref<32x80x128xi32, #tpu.memory_space<hbm>>, %arg3: memref<32x80x128xf32, #tpu.memory_space<hbm>>, %arg4: memref<2x10240x16xf32, #tpu.memory_space<hbm>>, %arg5: memref<80x128xi32, #tpu.memory_space<vmem>>, %arg6: memref<80x128xf32, #tpu.memory_space<vmem>>, %arg7: memref<128x16xf32, #tpu.memory_space<vmem>>, %arg8: memref<128x16xf32, #tpu.memory_space<vmem>>, %arg9: memref<640x16xf32, #tpu.memory_space<vmem>>, %arg10: memref<10240x16xf32, #tpu.memory_space<vmem_shared>>, %arg11: memref<!tpu.dma_semaphore, #tpu.memory_space<semaphore_mem>>, %arg12: memref<!tpu.dma_semaphore, #tpu.memory_space<semaphore_mem>>) attributes {dimension_semantics = [#tpu.dimension_semantics<core_parallel>, #tpu.dimension_semantics<subcore_parallel>], iteration_bounds = array<i64: 2, 16>, scalar_prefetch = 0 : i64, scratch_operands = 8 : i64, tpu.core_type = #tpu.core_type<sc_vector_subcore>, window_params = [{transform_indices = #map}, {transform_indices = #map}, {transform_indices = #map}]} {
    %mul3A = arith.constant 16 : i32
    %mul3A_0 = arith.muli %arg0, %mul3A : i32
    %add3A = arith.addi %mul3A_0, %arg1 : i32
    %scan3A = arith.constant 0 : i32
    %scan3A_1 = arith.constant 0 : i32
    %scan3A_2 = arith.constant 640 : i32
    %scan3A_3 = arith.addi %scan3A_1, %scan3A_2 : i32
    %scan3A_4 = arith.constant 1 : i32
    scf.for %scan3A_30 = %scan3A_1 to %scan3A_3 step %scan3A_4  : i32 {
      %broadcast_in_dim3A = arith.constant 0.000000e+00 : f32
      %broadcast_in_dim3A_31 = vector.broadcast %broadcast_in_dim3A : f32 to vector<16xf32>
      %swap3A = arith.index_cast %scan3A_30 : i32 to index
      %swap3A_32 = arith.constant 0 : index
      %swap3A_33 = tpu.vector_load %arg9[%swap3A, %swap3A_32] {strides = array<i32>} : memref<640x16xf32, #tpu.memory_space<vmem>>, vector<1x16xf32>,
      %swap3A_34 = vector.shape_cast %swap3A_33 : vector<1x16xf32> to vector<16xf32>
      %swap3A_35 = vector.shape_cast %broadcast_in_dim3A_31 : vector<16xf32> to vector<1x16xf32>
      tpu.vector_store %arg9[%swap3A, %swap3A_32], %swap3A_35 {strides = array<i32>} : memref<640x16xf32, #tpu.memory_space<vmem>>, vector<1x16xf32>,
    }
    %scan3A_5 = arith.constant 640 : i32
    %mul3A_6 = arith.constant 640 : i32
    %mul3A_7 = arith.muli %arg1, %mul3A_6 : i32
    "tpu.region"() ({
      %run_scoped3A = tpu.sem_alloc : memref<!tpu.dma_semaphore, #tpu.memory_space<semaphore_mem>>
      %dma_start3A = arith.constant 0 : i32
      %dma_start3A_30 = tpu.memref_slice %arg10[%mul3A_7, %dma_start3A] : memref<10240x16xf32, #tpu.memory_space<vmem_shared>> -> memref<640x16xf32, #tpu.memory_space<vmem_shared>>
      %dma_start3A_31 = arith.constant 0 : i32
      %dma_start3A_32 = tpu.memref_slice %arg10[%mul3A_7, %dma_start3A_31] : memref<10240x16xf32, #tpu.memory_space<vmem_shared>> -> memref<640x16xf32, #tpu.memory_space<vmem_shared>>
      tpu.enqueue_dma source(%arg9 : memref<640x16xf32, #tpu.memory_space<vmem>>) target(%dma_start3A_32 : memref<640x16xf32, #tpu.memory_space<vmem_shared>>) target_semaphore(%run_scoped3A : memref<!tpu.dma_semaphore, #tpu.memory_space<semaphore_mem>>)
      %dma_wait3A_33 = arith.constant 0 : i32
      %dma_wait3A_34 = tpu.memref_slice %arg10[%mul3A_7, %dma_wait3A_33] : memref<10240x16xf32, #tpu.memory_space<vmem_shared>> -> memref<640x16xf32, #tpu.memory_space<vmem_shared>>
      %dma_wait3A_35 = arith.constant 0 : i32
      %dma_wait3A_36 = tpu.memref_slice %arg10[%mul3A_7, %dma_wait3A_35] : memref<10240x16xf32, #tpu.memory_space<vmem_shared>> -> memref<640x16xf32, #tpu.memory_space<vmem_shared>>
      tpu.wait_dma2 semaphore(%run_scoped3A : memref<!tpu.dma_semaphore, #tpu.memory_space<semaphore_mem>>) src(%arg9 : memref<640x16xf32, #tpu.memory_space<vmem>>) dst(%dma_wait3A_36 : memref<640x16xf32, #tpu.memory_space<vmem_shared>>)
      tpu.yield
    }) : () -> ()
    "tpu.region"() ({
      %run_scoped3A = tpu.sem_alloc : memref<!tpu.dma_semaphore, #tpu.memory_space<semaphore_mem>>
      %dma_start3A = arith.constant 0 : i32
      %dma_start3A_30 = arith.constant 0 : i32
      %dma_start3A_31 = tpu.memref_slice %arg2[%add3A, %dma_start3A, %dma_start3A_30] : memref<32x80x128xi32, #tpu.memory_space<hbm>> -> memref<1x80x128xi32, #tpu.memory_space<hbm>>
      %dma_start3A_32 = tpu.memref_squeeze %dma_start3A_31 : memref<1x80x128xi32, #tpu.memory_space<hbm>> -> memref<80x128xi32, #tpu.memory_space<hbm>>
      %dma_start3A_33 = arith.constant 0 : i32
      %dma_start3A_34 = arith.constant 0 : i32
      %dma_start3A_35 = tpu.memref_slice %arg2[%add3A, %dma_start3A_33, %dma_start3A_34] : memref<32x80x128xi32, #tpu.memory_space<hbm>> -> memref<1x80x128xi32, #tpu.memory_space<hbm>>
      %dma_start3A_36 = tpu.memref_squeeze %dma_start3A_35 : memref<1x80x128xi32, #tpu.memory_space<hbm>> -> memref<80x128xi32, #tpu.memory_space<hbm>>
      tpu.enqueue_dma source(%dma_start3A_36 : memref<80x128xi32, #tpu.memory_space<hbm>>) target(%arg5 : memref<80x128xi32, #tpu.memory_space<vmem>>) target_semaphore(%run_scoped3A : memref<!tpu.dma_semaphore, #tpu.memory_space<semaphore_mem>>)
      %dma_wait3A_37 = arith.constant 0 : i32
      %dma_wait3A_38 = arith.constant 0 : i32
      %dma_wait3A_39 = tpu.memref_slice %arg2[%add3A, %dma_wait3A_37, %dma_wait3A_38] : memref<32x80x128xi32, #tpu.memory_space<hbm>> -> memref<1x80x128xi32, #tpu.memory_space<hbm>>
      %dma_wait3A_40 = tpu.memref_squeeze %dma_wait3A_39 : memref<1x80x128xi32, #tpu.memory_space<hbm>> -> memref<80x128xi32, #tpu.memory_space<hbm>>
      %dma_wait3A_41 = arith.constant 0 : i32
      %dma_wait3A_42 = arith.constant 0 : i32
      %dma_wait3A_43 = tpu.memref_slice %arg2[%add3A, %dma_wait3A_41, %dma_wait3A_42] : memref<32x80x128xi32, #tpu.memory_space<hbm>> -> memref<1x80x128xi32, #tpu.memory_space<hbm>>
      %dma_wait3A_44 = tpu.memref_squeeze %dma_wait3A_43 : memref<1x80x128xi32, #tpu.memory_space<hbm>> -> memref<80x128xi32, #tpu.memory_space<hbm>>
      tpu.wait_dma2 semaphore(%run_scoped3A : memref<!tpu.dma_semaphore, #tpu.memory_space<semaphore_mem>>) src(%dma_wait3A_44 : memref<80x128xi32, #tpu.memory_space<hbm>>) dst(%arg5 : memref<80x128xi32, #tpu.memory_space<vmem>>)
      tpu.yield
    }) : () -> ()
    "tpu.region"() ({
      %run_scoped3A = tpu.sem_alloc : memref<!tpu.dma_semaphore, #tpu.memory_space<semaphore_mem>>
      %dma_start3A = arith.constant 0 : i32
      %dma_start3A_30 = arith.constant 0 : i32
      %dma_start3A_31 = tpu.memref_slice %arg3[%add3A, %dma_start3A, %dma_start3A_30] : memref<32x80x128xf32, #tpu.memory_space<hbm>> -> memref<1x80x128xf32, #tpu.memory_space<hbm>>
      %dma_start3A_32 = tpu.memref_squeeze %dma_start3A_31 : memref<1x80x128xf32, #tpu.memory_space<hbm>> -> memref<80x128xf32, #tpu.memory_space<hbm>>
      %dma_start3A_33 = arith.constant 0 : i32
      %dma_start3A_34 = arith.constant 0 : i32
      %dma_start3A_35 = tpu.memref_slice %arg3[%add3A, %dma_start3A_33, %dma_start3A_34] : memref<32x80x128xf32, #tpu.memory_space<hbm>> -> memref<1x80x128xf32, #tpu.memory_space<hbm>>
      %dma_start3A_36 = tpu.memref_squeeze %dma_start3A_35 : memref<1x80x128xf32, #tpu.memory_space<hbm>> -> memref<80x128xf32, #tpu.memory_space<hbm>>
      tpu.enqueue_dma source(%dma_start3A_36 : memref<80x128xf32, #tpu.memory_space<hbm>>) target(%arg6 : memref<80x128xf32, #tpu.memory_space<vmem>>) target_semaphore(%run_scoped3A : memref<!tpu.dma_semaphore, #tpu.memory_space<semaphore_mem>>)
      %dma_wait3A_37 = arith.constant 0 : i32
      %dma_wait3A_38 = arith.constant 0 : i32
      %dma_wait3A_39 = tpu.memref_slice %arg3[%add3A, %dma_wait3A_37, %dma_wait3A_38] : memref<32x80x128xf32, #tpu.memory_space<hbm>> -> memref<1x80x128xf32, #tpu.memory_space<hbm>>
      %dma_wait3A_40 = tpu.memref_squeeze %dma_wait3A_39 : memref<1x80x128xf32, #tpu.memory_space<hbm>> -> memref<80x128xf32, #tpu.memory_space<hbm>>
      %dma_wait3A_41 = arith.constant 0 : i32
      %dma_wait3A_42 = arith.constant 0 : i32
      %dma_wait3A_43 = tpu.memref_slice %arg3[%add3A, %dma_wait3A_41, %dma_wait3A_42] : memref<32x80x128xf32, #tpu.memory_space<hbm>> -> memref<1x80x128xf32, #tpu.memory_space<hbm>>
      %dma_wait3A_44 = tpu.memref_squeeze %dma_wait3A_43 : memref<1x80x128xf32, #tpu.memory_space<hbm>> -> memref<80x128xf32, #tpu.memory_space<hbm>>
      tpu.wait_dma2 semaphore(%run_scoped3A : memref<!tpu.dma_semaphore, #tpu.memory_space<semaphore_mem>>) src(%dma_wait3A_44 : memref<80x128xf32, #tpu.memory_space<hbm>>) dst(%arg6 : memref<80x128xf32, #tpu.memory_space<vmem>>)
      tpu.yield
    }) : () -> ()
    %barrier3A = arith.constant 0 : index
    tpu.barrier barrier_id(%barrier3A)
    %scan3A_8 = arith.constant 0 : i32
    %scan3A_9 = arith.constant 0 : i32
    %scan3A_10 = arith.constant 40 : i32
    %scan3A_11 = arith.addi %scan3A_9, %scan3A_10 : i32
    %scan3A_12 = arith.constant 1 : i32
    scf.for %scan3A_30 = %scan3A_9 to %scan3A_11 step %scan3A_12  : i32 {
      %mul3A_31 = arith.constant 2 : i32
      %mul3A_32 = arith.muli %scan3A_30, %mul3A_31 : i32
      %ge3A = arith.constant 2 : i32
      %ge3A_33 = arith.cmpi sge, %mul3A_32, %ge3A : i32
      %convert_element_type3A = arith.extui %ge3A_33 : i1 to i32
      %cond3A = arith.constant 0 : i32
      %cond3A_34 = arith.cmpi ne, %convert_element_type3A, %cond3A : i32
      scf.if %cond3A_34 {
        %sub3A = arith.constant 2 : i32
        %sub3A_65 = arith.subi %mul3A_32, %sub3A : i32
        %dma_wait3A_66 = arith.constant 0 : i32
        %dma_wait3A_67 = tpu.memref_slice %arg5[%sub3A_65, %dma_wait3A_66] : memref<80x128xi32, #tpu.memory_space<vmem>> -> memref<1x128xi32, #tpu.memory_space<vmem>>
        %dma_wait3A_68 = tpu.memref_squeeze %dma_wait3A_67 : memref<1x128xi32, #tpu.memory_space<vmem>> -> memref<128xi32, #tpu.memory_space<vmem>>
        %dma_wait3A_69 = arith.constant 0 : i32
        %dma_wait3A_70 = arith.constant 0 : i32
        %dma_wait3A_71 = tpu.memref_slice %arg10[%dma_wait3A_69, %dma_wait3A_70] : memref<10240x16xf32, #tpu.memory_space<vmem_shared>> -> memref<10240x16xf32, #tpu.memory_space<vmem_shared>>
        tpu.wait_indirect_dma semaphore(%arg11 : memref<!tpu.dma_semaphore, #tpu.memory_space<semaphore_mem>>) src(%arg7 : memref<128x16xf32, #tpu.memory_space<vmem>>) dst(%dma_wait3A_71 : memref<10240x16xf32, #tpu.memory_space<vmem_shared>>)
      } else {
      }
      %scan3A_35 = arith.constant 0 : i32
      %scan3A_36 = arith.constant 0 : i32
      %scan3A_37 = arith.constant 8 : i32
      %scan3A_38 = arith.addi %scan3A_36, %scan3A_37 : i32
      %scan3A_39 = arith.constant 1 : i32
      scf.for %scan3A_65 = %scan3A_36 to %scan3A_38 step %scan3A_39  : i32 {
        %mul3A_66 = arith.constant 16 : i32
        %mul3A_67 = arith.muli %scan3A_65, %mul3A_66 : i32
        %get3A = arith.index_cast %mul3A_32 : i32 to index
        %get3A_68 = arith.index_cast %mul3A_67 : i32 to index
        %get3A_69 = tpu.vector_load %arg6[%get3A, %get3A_68] {strides = array<i32>} : memref<80x128xf32, #tpu.memory_space<vmem>>, vector<1x16xf32>,
        %get3A_70 = vector.shape_cast %get3A_69 : vector<1x16xf32> to vector<16xf32>
        %mul3A_71 = arith.constant 16 : i32
        %mul3A_72 = arith.muli %scan3A_65, %mul3A_71 : i32
        %slice3A = vector.extract_strided_slice %get3A_70 {offsets = [0], sizes = [1], strides = [1]} : vector<16xf32> to vector<1xf32>
        %squeeze3A = vector.extract %slice3A[0] : f32 from vector<1xf32>
        %broadcast_in_dim3A = vector.broadcast %squeeze3A : f32 to vector<16xf32>
        %add3A_73 = arith.constant 0 : i32
        %add3A_74 = arith.addi %mul3A_72, %add3A_73 : i32
        %swap3A = arith.index_cast %add3A_74 : i32 to index
        %swap3A_75 = arith.constant 0 : index
        %swap3A_76 = tpu.vector_load %arg7[%swap3A, %swap3A_75] {strides = array<i32>} : memref<128x16xf32, #tpu.memory_space<vmem>>, vector<1x16xf32>,
        %swap3A_77 = vector.shape_cast %swap3A_76 : vector<1x16xf32> to vector<16xf32>
        %swap3A_78 = vector.shape_cast %broadcast_in_dim3A : vector<16xf32> to vector<1x16xf32>
        tpu.vector_store %arg7[%swap3A, %swap3A_75], %swap3A_78 {strides = array<i32>} : memref<128x16xf32, #tpu.memory_space<vmem>>, vector<1x16xf32>,
        %slice3A_79 = vector.extract_strided_slice %get3A_70 {offsets = [1], sizes = [1], strides = [1]} : vector<16xf32> to vector<1xf32>
        %squeeze3A_80 = vector.extract %slice3A_79[0] : f32 from vector<1xf32>
        %broadcast_in_dim3A_81 = vector.broadcast %squeeze3A_80 : f32 to vector<16xf32>
        %add3A_82 = arith.constant 1 : i32
        %add3A_83 = arith.addi %mul3A_72, %add3A_82 : i32
        %swap3A_84 = arith.index_cast %add3A_83 : i32 to index
        %swap3A_85 = arith.constant 0 : index
        %swap3A_86 = tpu.vector_load %arg7[%swap3A_84, %swap3A_85] {strides = array<i32>} : memref<128x16xf32, #tpu.memory_space<vmem>>, vector<1x16xf32>,
        %swap3A_87 = vector.shape_cast %swap3A_86 : vector<1x16xf32> to vector<16xf32>
        %swap3A_88 = vector.shape_cast %broadcast_in_dim3A_81 : vector<16xf32> to vector<1x16xf32>
        tpu.vector_store %arg7[%swap3A_84, %swap3A_85], %swap3A_88 {strides = array<i32>} : memref<128x16xf32, #tpu.memory_space<vmem>>, vector<1x16xf32>,
        %slice3A_89 = vector.extract_strided_slice %get3A_70 {offsets = [2], sizes = [1], strides = [1]} : vector<16xf32> to vector<1xf32>
        %squeeze3A_90 = vector.extract %slice3A_89[0] : f32 from vector<1xf32>
        %broadcast_in_dim3A_91 = vector.broadcast %squeeze3A_90 : f32 to vector<16xf32>
        %add3A_92 = arith.constant 2 : i32
        %add3A_93 = arith.addi %mul3A_72, %add3A_92 : i32
        %swap3A_94 = arith.index_cast %add3A_93 : i32 to index
        %swap3A_95 = arith.constant 0 : index
        %swap3A_96 = tpu.vector_load %arg7[%swap3A_94, %swap3A_95] {strides = array<i32>} : memref<128x16xf32, #tpu.memory_space<vmem>>, vector<1x16xf32>,
        %swap3A_97 = vector.shape_cast %swap3A_96 : vector<1x16xf32> to vector<16xf32>
        %swap3A_98 = vector.shape_cast %broadcast_in_dim3A_91 : vector<16xf32> to vector<1x16xf32>
        tpu.vector_store %arg7[%swap3A_94, %swap3A_95], %swap3A_98 {strides = array<i32>} : memref<128x16xf32, #tpu.memory_space<vmem>>, vector<1x16xf32>,
        %slice3A_99 = vector.extract_strided_slice %get3A_70 {offsets = [3], sizes = [1], strides = [1]} : vector<16xf32> to vector<1xf32>
        %squeeze3A_100 = vector.extract %slice3A_99[0] : f32 from vector<1xf32>
        %broadcast_in_dim3A_101 = vector.broadcast %squeeze3A_100 : f32 to vector<16xf32>
        %add3A_102 = arith.constant 3 : i32
        %add3A_103 = arith.addi %mul3A_72, %add3A_102 : i32
        %swap3A_104 = arith.index_cast %add3A_103 : i32 to index
        %swap3A_105 = arith.constant 0 : index
        %swap3A_106 = tpu.vector_load %arg7[%swap3A_104, %swap3A_105] {strides = array<i32>} : memref<128x16xf32, #tpu.memory_space<vmem>>, vector<1x16xf32>,
        %swap3A_107 = vector.shape_cast %swap3A_106 : vector<1x16xf32> to vector<16xf32>
        %swap3A_108 = vector.shape_cast %broadcast_in_dim3A_101 : vector<16xf32> to vector<1x16xf32>
        tpu.vector_store %arg7[%swap3A_104, %swap3A_105], %swap3A_108 {strides = array<i32>} : memref<128x16xf32, #tpu.memory_space<vmem>>, vector<1x16xf32>,
        %slice3A_109 = vector.extract_strided_slice %get3A_70 {offsets = [4], sizes = [1], strides = [1]} : vector<16xf32> to vector<1xf32>
        %squeeze3A_110 = vector.extract %slice3A_109[0] : f32 from vector<1xf32>
        %broadcast_in_dim3A_111 = vector.broadcast %squeeze3A_110 : f32 to vector<16xf32>
        %add3A_112 = arith.constant 4 : i32
        %add3A_113 = arith.addi %mul3A_72, %add3A_112 : i32
        %swap3A_114 = arith.index_cast %add3A_113 : i32 to index
        %swap3A_115 = arith.constant 0 : index
        %swap3A_116 = tpu.vector_load %arg7[%swap3A_114, %swap3A_115] {strides = array<i32>} : memref<128x16xf32, #tpu.memory_space<vmem>>, vector<1x16xf32>,
        %swap3A_117 = vector.shape_cast %swap3A_116 : vector<1x16xf32> to vector<16xf32>
        %swap3A_118 = vector.shape_cast %broadcast_in_dim3A_111 : vector<16xf32> to vector<1x16xf32>
        tpu.vector_store %arg7[%swap3A_114, %swap3A_115], %swap3A_118 {strides = array<i32>} : memref<128x16xf32, #tpu.memory_space<vmem>>, vector<1x16xf32>,
        %slice3A_119 = vector.extract_strided_slice %get3A_70 {offsets = [5], sizes = [1], strides = [1]} : vector<16xf32> to vector<1xf32>
        %squeeze3A_120 = vector.extract %slice3A_119[0] : f32 from vector<1xf32>
        %broadcast_in_dim3A_121 = vector.broadcast %squeeze3A_120 : f32 to vector<16xf32>
        %add3A_122 = arith.constant 5 : i32
        %add3A_123 = arith.addi %mul3A_72, %add3A_122 : i32
        %swap3A_124 = arith.index_cast %add3A_123 : i32 to index
        %swap3A_125 = arith.constant 0 : index
        %swap3A_126 = tpu.vector_load %arg7[%swap3A_124, %swap3A_125] {strides = array<i32>} : memref<128x16xf32, #tpu.memory_space<vmem>>, vector<1x16xf32>,
        %swap3A_127 = vector.shape_cast %swap3A_126 : vector<1x16xf32> to vector<16xf32>
        %swap3A_128 = vector.shape_cast %broadcast_in_dim3A_121 : vector<16xf32> to vector<1x16xf32>
        tpu.vector_store %arg7[%swap3A_124, %swap3A_125], %swap3A_128 {strides = array<i32>} : memref<128x16xf32, #tpu.memory_space<vmem>>, vector<1x16xf32>,
        %slice3A_129 = vector.extract_strided_slice %get3A_70 {offsets = [6], sizes = [1], strides = [1]} : vector<16xf32> to vector<1xf32>
        %squeeze3A_130 = vector.extract %slice3A_129[0] : f32 from vector<1xf32>
        %broadcast_in_dim3A_131 = vector.broadcast %squeeze3A_130 : f32 to vector<16xf32>
        %add3A_132 = arith.constant 6 : i32
        %add3A_133 = arith.addi %mul3A_72, %add3A_132 : i32
        %swap3A_134 = arith.index_cast %add3A_133 : i32 to index
        %swap3A_135 = arith.constant 0 : index
        %swap3A_136 = tpu.vector_load %arg7[%swap3A_134, %swap3A_135] {strides = array<i32>} : memref<128x16xf32, #tpu.memory_space<vmem>>, vector<1x16xf32>,
        %swap3A_137 = vector.shape_cast %swap3A_136 : vector<1x16xf32> to vector<16xf32>
        %swap3A_138 = vector.shape_cast %broadcast_in_dim3A_131 : vector<16xf32> to vector<1x16xf32>
        tpu.vector_store %arg7[%swap3A_134, %swap3A_135], %swap3A_138 {strides = array<i32>} : memref<128x16xf32, #tpu.memory_space<vmem>>, vector<1x16xf32>,
        %slice3A_139 = vector.extract_strided_slice %get3A_70 {offsets = [7], sizes = [1], strides = [1]} : vector<16xf32> to vector<1xf32>
        %squeeze3A_140 = vector.extract %slice3A_139[0] : f32 from vector<1xf32>
        %broadcast_in_dim3A_141 = vector.broadcast %squeeze3A_140 : f32 to vector<16xf32>
        %add3A_142 = arith.constant 7 : i32
        %add3A_143 = arith.addi %mul3A_72, %add3A_142 : i32
        %swap3A_144 = arith.index_cast %add3A_143 : i32 to index
        %swap3A_145 = arith.constant 0 : index
        %swap3A_146 = tpu.vector_load %arg7[%swap3A_144, %swap3A_145] {strides = array<i32>} : memref<128x16xf32, #tpu.memory_space<vmem>>, vector<1x16xf32>,
        %swap3A_147 = vector.shape_cast %swap3A_146 : vector<1x16xf32> to vector<16xf32>
        %swap3A_148 = vector.shape_cast %broadcast_in_dim3A_141 : vector<16xf32> to vector<1x16xf32>
        tpu.vector_store %arg7[%swap3A_144, %swap3A_145], %swap3A_148 {strides = array<i32>} : memref<128x16xf32, #tpu.memory_space<vmem>>, vector<1x16xf32>,
        %slice3A_149 = vector.extract_strided_slice %get3A_70 {offsets = [8], sizes = [1], strides = [1]} : vector<16xf32> to vector<1xf32>
        %squeeze3A_150 = vector.extract %slice3A_149[0] : f32 from vector<1xf32>
        %broadcast_in_dim3A_151 = vector.broadcast %squeeze3A_150 : f32 to vector<16xf32>
        %add3A_152 = arith.constant 8 : i32
        %add3A_153 = arith.addi %mul3A_72, %add3A_152 : i32
        %swap3A_154 = arith.index_cast %add3A_153 : i32 to index
        %swap3A_155 = arith.constant 0 : index
        %swap3A_156 = tpu.vector_load %arg7[%swap3A_154, %swap3A_155] {strides = array<i32>} : memref<128x16xf32, #tpu.memory_space<vmem>>, vector<1x16xf32>,
        %swap3A_157 = vector.shape_cast %swap3A_156 : vector<1x16xf32> to vector<16xf32>
        %swap3A_158 = vector.shape_cast %broadcast_in_dim3A_151 : vector<16xf32> to vector<1x16xf32>
        tpu.vector_store %arg7[%swap3A_154, %swap3A_155], %swap3A_158 {strides = array<i32>} : memref<128x16xf32, #tpu.memory_space<vmem>>, vector<1x16xf32>,
        %slice3A_159 = vector.extract_strided_slice %get3A_70 {offsets = [9], sizes = [1], strides = [1]} : vector<16xf32> to vector<1xf32>
        %squeeze3A_160 = vector.extract %slice3A_159[0] : f32 from vector<1xf32>
        %broadcast_in_dim3A_161 = vector.broadcast %squeeze3A_160 : f32 to vector<16xf32>
        %add3A_162 = arith.constant 9 : i32
        %add3A_163 = arith.addi %mul3A_72, %add3A_162 : i32
        %swap3A_164 = arith.index_cast %add3A_163 : i32 to index
        %swap3A_165 = arith.constant 0 : index
        %swap3A_166 = tpu.vector_load %arg7[%swap3A_164, %swap3A_165] {strides = array<i32>} : memref<128x16xf32, #tpu.memory_space<vmem>>, vector<1x16xf32>,
        %swap3A_167 = vector.shape_cast %swap3A_166 : vector<1x16xf32> to vector<16xf32>
        %swap3A_168 = vector.shape_cast %broadcast_in_dim3A_161 : vector<16xf32> to vector<1x16xf32>
        tpu.vector_store %arg7[%swap3A_164, %swap3A_165], %swap3A_168 {strides = array<i32>} : memref<128x16xf32, #tpu.memory_space<vmem>>, vector<1x16xf32>,
        %slice3A_169 = vector.extract_strided_slice %get3A_70 {offsets = [10], sizes = [1], strides = [1]} : vector<16xf32> to vector<1xf32>
        %squeeze3A_170 = vector.extract %slice3A_169[0] : f32 from vector<1xf32>
        %broadcast_in_dim3A_171 = vector.broadcast %squeeze3A_170 : f32 to vector<16xf32>
        %add3A_172 = arith.constant 10 : i32
        %add3A_173 = arith.addi %mul3A_72, %add3A_172 : i32
        %swap3A_174 = arith.index_cast %add3A_173 : i32 to index
        %swap3A_175 = arith.constant 0 : index
        %swap3A_176 = tpu.vector_load %arg7[%swap3A_174, %swap3A_175] {strides = array<i32>} : memref<128x16xf32, #tpu.memory_space<vmem>>, vector<1x16xf32>,
        %swap3A_177 = vector.shape_cast %swap3A_176 : vector<1x16xf32> to vector<16xf32>
        %swap3A_178 = vector.shape_cast %broadcast_in_dim3A_171 : vector<16xf32> to vector<1x16xf32>
        tpu.vector_store %arg7[%swap3A_174, %swap3A_175], %swap3A_178 {strides = array<i32>} : memref<128x16xf32, #tpu.memory_space<vmem>>, vector<1x16xf32>,
        %slice3A_179 = vector.extract_strided_slice %get3A_70 {offsets = [11], sizes = [1], strides = [1]} : vector<16xf32> to vector<1xf32>
        %squeeze3A_180 = vector.extract %slice3A_179[0] : f32 from vector<1xf32>
        %broadcast_in_dim3A_181 = vector.broadcast %squeeze3A_180 : f32 to vector<16xf32>
        %add3A_182 = arith.constant 11 : i32
        %add3A_183 = arith.addi %mul3A_72, %add3A_182 : i32
        %swap3A_184 = arith.index_cast %add3A_183 : i32 to index
        %swap3A_185 = arith.constant 0 : index
        %swap3A_186 = tpu.vector_load %arg7[%swap3A_184, %swap3A_185] {strides = array<i32>} : memref<128x16xf32, #tpu.memory_space<vmem>>, vector<1x16xf32>,
        %swap3A_187 = vector.shape_cast %swap3A_186 : vector<1x16xf32> to vector<16xf32>
        %swap3A_188 = vector.shape_cast %broadcast_in_dim3A_181 : vector<16xf32> to vector<1x16xf32>
        tpu.vector_store %arg7[%swap3A_184, %swap3A_185], %swap3A_188 {strides = array<i32>} : memref<128x16xf32, #tpu.memory_space<vmem>>, vector<1x16xf32>,
        %slice3A_189 = vector.extract_strided_slice %get3A_70 {offsets = [12], sizes = [1], strides = [1]} : vector<16xf32> to vector<1xf32>
        %squeeze3A_190 = vector.extract %slice3A_189[0] : f32 from vector<1xf32>
        %broadcast_in_dim3A_191 = vector.broadcast %squeeze3A_190 : f32 to vector<16xf32>
        %add3A_192 = arith.constant 12 : i32
        %add3A_193 = arith.addi %mul3A_72, %add3A_192 : i32
        %swap3A_194 = arith.index_cast %add3A_193 : i32 to index
        %swap3A_195 = arith.constant 0 : index
        %swap3A_196 = tpu.vector_load %arg7[%swap3A_194, %swap3A_195] {strides = array<i32>} : memref<128x16xf32, #tpu.memory_space<vmem>>, vector<1x16xf32>,
        %swap3A_197 = vector.shape_cast %swap3A_196 : vector<1x16xf32> to vector<16xf32>
        %swap3A_198 = vector.shape_cast %broadcast_in_dim3A_191 : vector<16xf32> to vector<1x16xf32>
        tpu.vector_store %arg7[%swap3A_194, %swap3A_195], %swap3A_198 {strides = array<i32>} : memref<128x16xf32, #tpu.memory_space<vmem>>, vector<1x16xf32>,
        %slice3A_199 = vector.extract_strided_slice %get3A_70 {offsets = [13], sizes = [1], strides = [1]} : vector<16xf32> to vector<1xf32>
        %squeeze3A_200 = vector.extract %slice3A_199[0] : f32 from vector<1xf32>
        %broadcast_in_dim3A_201 = vector.broadcast %squeeze3A_200 : f32 to vector<16xf32>
        %add3A_202 = arith.constant 13 : i32
        %add3A_203 = arith.addi %mul3A_72, %add3A_202 : i32
        %swap3A_204 = arith.index_cast %add3A_203 : i32 to index
        %swap3A_205 = arith.constant 0 : index
        %swap3A_206 = tpu.vector_load %arg7[%swap3A_204, %swap3A_205] {strides = array<i32>} : memref<128x16xf32, #tpu.memory_space<vmem>>, vector<1x16xf32>,
        %swap3A_207 = vector.shape_cast %swap3A_206 : vector<1x16xf32> to vector<16xf32>
        %swap3A_208 = vector.shape_cast %broadcast_in_dim3A_201 : vector<16xf32> to vector<1x16xf32>
        tpu.vector_store %arg7[%swap3A_204, %swap3A_205], %swap3A_208 {strides = array<i32>} : memref<128x16xf32, #tpu.memory_space<vmem>>, vector<1x16xf32>,
        %slice3A_209 = vector.extract_strided_slice %get3A_70 {offsets = [14], sizes = [1], strides = [1]} : vector<16xf32> to vector<1xf32>
        %squeeze3A_210 = vector.extract %slice3A_209[0] : f32 from vector<1xf32>
        %broadcast_in_dim3A_211 = vector.broadcast %squeeze3A_210 : f32 to vector<16xf32>
        %add3A_212 = arith.constant 14 : i32
        %add3A_213 = arith.addi %mul3A_72, %add3A_212 : i32
        %swap3A_214 = arith.index_cast %add3A_213 : i32 to index
        %swap3A_215 = arith.constant 0 : index
        %swap3A_216 = tpu.vector_load %arg7[%swap3A_214, %swap3A_215] {strides = array<i32>} : memref<128x16xf32, #tpu.memory_space<vmem>>, vector<1x16xf32>,
        %swap3A_217 = vector.shape_cast %swap3A_216 : vector<1x16xf32> to vector<16xf32>
        %swap3A_218 = vector.shape_cast %broadcast_in_dim3A_211 : vector<16xf32> to vector<1x16xf32>
        tpu.vector_store %arg7[%swap3A_214, %swap3A_215], %swap3A_218 {strides = array<i32>} : memref<128x16xf32, #tpu.memory_space<vmem>>, vector<1x16xf32>,
        %slice3A_219 = vector.extract_strided_slice %get3A_70 {offsets = [15], sizes = [1], strides = [1]} : vector<16xf32> to vector<1xf32>
        %squeeze3A_220 = vector.extract %slice3A_219[0] : f32 from vector<1xf32>
        %broadcast_in_dim3A_221 = vector.broadcast %squeeze3A_220 : f32 to vector<16xf32>
        %add3A_222 = arith.constant 15 : i32
        %add3A_223 = arith.addi %mul3A_72, %add3A_222 : i32
        %swap3A_224 = arith.index_cast %add3A_223 : i32 to index
        %swap3A_225 = arith.constant 0 : index
        %swap3A_226 = tpu.vector_load %arg7[%swap3A_224, %swap3A_225] {strides = array<i32>} : memref<128x16xf32, #tpu.memory_space<vmem>>, vector<1x16xf32>,
        %swap3A_227 = vector.shape_cast %swap3A_226 : vector<1x16xf32> to vector<16xf32>
        %swap3A_228 = vector.shape_cast %broadcast_in_dim3A_221 : vector<16xf32> to vector<1x16xf32>
        tpu.vector_store %arg7[%swap3A_224, %swap3A_225], %swap3A_228 {strides = array<i32>} : memref<128x16xf32, #tpu.memory_space<vmem>>, vector<1x16xf32>,
      }
      %scan3A_40 = arith.constant 8 : i32
      %dma_start3A = arith.constant 0 : i32
      %dma_start3A_41 = tpu.memref_slice %arg5[%mul3A_32, %dma_start3A] : memref<80x128xi32, #tpu.memory_space<vmem>> -> memref<1x128xi32, #tpu.memory_space<vmem>>
      %dma_start3A_42 = tpu.memref_squeeze %dma_start3A_41 : memref<1x128xi32, #tpu.memory_space<vmem>> -> memref<128xi32, #tpu.memory_space<vmem>>
      %dma_start3A_43 = arith.constant 0 : i32
      %dma_start3A_44 = arith.constant 0 : i32
      %dma_start3A_45 = tpu.memref_slice %arg10[%dma_start3A_43, %dma_start3A_44] : memref<10240x16xf32, #tpu.memory_space<vmem_shared>> -> memref<10240x16xf32, #tpu.memory_space<vmem_shared>>
      tpu.enqueue_indirect_dma source(%arg7 : memref<128x16xf32, #tpu.memory_space<vmem>>) target(%dma_start3A_45 : memref<10240x16xf32, #tpu.memory_space<vmem_shared>>) offsets(%dma_start3A_42 : memref<128xi32, #tpu.memory_space<vmem>>) semaphore(%arg11 : memref<!tpu.dma_semaphore, #tpu.memory_space<semaphore_mem>>) {add = true}
      %add3A_46 = arith.constant 1 : i32
      %add3A_47 = arith.addi %mul3A_32, %add3A_46 : i32
      %ge3A_48 = arith.constant 2 : i32
      %ge3A_49 = arith.cmpi sge, %add3A_47, %ge3A_48 : i32
      %convert_element_type3A_50 = arith.extui %ge3A_49 : i1 to i32
      %cond3A_51 = arith.constant 0 : i32
      %cond3A_52 = arith.cmpi ne, %convert_element_type3A_50, %cond3A_51 : i32
      scf.if %cond3A_52 {
        %sub3A = arith.constant 2 : i32
        %sub3A_65 = arith.subi %add3A_47, %sub3A : i32
        %dma_wait3A_66 = arith.constant 0 : i32
        %dma_wait3A_67 = tpu.memref_slice %arg5[%sub3A_65, %dma_wait3A_66] : memref<80x128xi32, #tpu.memory_space<vmem>> -> memref<1x128xi32, #tpu.memory_space<vmem>>
        %dma_wait3A_68 = tpu.memref_squeeze %dma_wait3A_67 : memref<1x128xi32, #tpu.memory_space<vmem>> -> memref<128xi32, #tpu.memory_space<vmem>>
        %dma_wait3A_69 = arith.constant 0 : i32
        %dma_wait3A_70 = arith.constant 0 : i32
        %dma_wait3A_71 = tpu.memref_slice %arg10[%dma_wait3A_69, %dma_wait3A_70] : memref<10240x16xf32, #tpu.memory_space<vmem_shared>> -> memref<10240x16xf32, #tpu.memory_space<vmem_shared>>
        tpu.wait_indirect_dma semaphore(%arg12 : memref<!tpu.dma_semaphore, #tpu.memory_space<semaphore_mem>>) src(%arg8 : memref<128x16xf32, #tpu.memory_space<vmem>>) dst(%dma_wait3A_71 : memref<10240x16xf32, #tpu.memory_space<vmem_shared>>)
      } else {
      }
      %scan3A_53 = arith.constant 0 : i32
      %scan3A_54 = arith.constant 0 : i32
      %scan3A_55 = arith.constant 8 : i32
      %scan3A_56 = arith.addi %scan3A_54, %scan3A_55 : i32
      %scan3A_57 = arith.constant 1 : i32
      scf.for %scan3A_65 = %scan3A_54 to %scan3A_56 step %scan3A_57  : i32 {
        %mul3A_66 = arith.constant 16 : i32
        %mul3A_67 = arith.muli %scan3A_65, %mul3A_66 : i32
        %get3A = arith.index_cast %add3A_47 : i32 to index
        %get3A_68 = arith.index_cast %mul3A_67 : i32 to index
        %get3A_69 = tpu.vector_load %arg6[%get3A, %get3A_68] {strides = array<i32>} : memref<80x128xf32, #tpu.memory_space<vmem>>, vector<1x16xf32>,
        %get3A_70 = vector.shape_cast %get3A_69 : vector<1x16xf32> to vector<16xf32>
        %mul3A_71 = arith.constant 16 : i32
        %mul3A_72 = arith.muli %scan3A_65, %mul3A_71 : i32
        %slice3A = vector.extract_strided_slice %get3A_70 {offsets = [0], sizes = [1], strides = [1]} : vector<16xf32> to vector<1xf32>
        %squeeze3A = vector.extract %slice3A[0] : f32 from vector<1xf32>
        %broadcast_in_dim3A = vector.broadcast %squeeze3A : f32 to vector<16xf32>
        %add3A_73 = arith.constant 0 : i32
        %add3A_74 = arith.addi %mul3A_72, %add3A_73 : i32
        %swap3A = arith.index_cast %add3A_74 : i32 to index
        %swap3A_75 = arith.constant 0 : index
        %swap3A_76 = tpu.vector_load %arg8[%swap3A, %swap3A_75] {strides = array<i32>} : memref<128x16xf32, #tpu.memory_space<vmem>>, vector<1x16xf32>,
        %swap3A_77 = vector.shape_cast %swap3A_76 : vector<1x16xf32> to vector<16xf32>
        %swap3A_78 = vector.shape_cast %broadcast_in_dim3A : vector<16xf32> to vector<1x16xf32>
        tpu.vector_store %arg8[%swap3A, %swap3A_75], %swap3A_78 {strides = array<i32>} : memref<128x16xf32, #tpu.memory_space<vmem>>, vector<1x16xf32>,
        %slice3A_79 = vector.extract_strided_slice %get3A_70 {offsets = [1], sizes = [1], strides = [1]} : vector<16xf32> to vector<1xf32>
        %squeeze3A_80 = vector.extract %slice3A_79[0] : f32 from vector<1xf32>
        %broadcast_in_dim3A_81 = vector.broadcast %squeeze3A_80 : f32 to vector<16xf32>
        %add3A_82 = arith.constant 1 : i32
        %add3A_83 = arith.addi %mul3A_72, %add3A_82 : i32
        %swap3A_84 = arith.index_cast %add3A_83 : i32 to index
        %swap3A_85 = arith.constant 0 : index
        %swap3A_86 = tpu.vector_load %arg8[%swap3A_84, %swap3A_85] {strides = array<i32>} : memref<128x16xf32, #tpu.memory_space<vmem>>, vector<1x16xf32>,
        %swap3A_87 = vector.shape_cast %swap3A_86 : vector<1x16xf32> to vector<16xf32>
        %swap3A_88 = vector.shape_cast %broadcast_in_dim3A_81 : vector<16xf32> to vector<1x16xf32>
        tpu.vector_store %arg8[%swap3A_84, %swap3A_85], %swap3A_88 {strides = array<i32>} : memref<128x16xf32, #tpu.memory_space<vmem>>, vector<1x16xf32>,
        %slice3A_89 = vector.extract_strided_slice %get3A_70 {offsets = [2], sizes = [1], strides = [1]} : vector<16xf32> to vector<1xf32>
        %squeeze3A_90 = vector.extract %slice3A_89[0] : f32 from vector<1xf32>
        %broadcast_in_dim3A_91 = vector.broadcast %squeeze3A_90 : f32 to vector<16xf32>
        %add3A_92 = arith.constant 2 : i32
        %add3A_93 = arith.addi %mul3A_72, %add3A_92 : i32
        %swap3A_94 = arith.index_cast %add3A_93 : i32 to index
        %swap3A_95 = arith.constant 0 : index
        %swap3A_96 = tpu.vector_load %arg8[%swap3A_94, %swap3A_95] {strides = array<i32>} : memref<128x16xf32, #tpu.memory_space<vmem>>, vector<1x16xf32>,
        %swap3A_97 = vector.shape_cast %swap3A_96 : vector<1x16xf32> to vector<16xf32>
        %swap3A_98 = vector.shape_cast %broadcast_in_dim3A_91 : vector<16xf32> to vector<1x16xf32>
        tpu.vector_store %arg8[%swap3A_94, %swap3A_95], %swap3A_98 {strides = array<i32>} : memref<128x16xf32, #tpu.memory_space<vmem>>, vector<1x16xf32>,
        %slice3A_99 = vector.extract_strided_slice %get3A_70 {offsets = [3], sizes = [1], strides = [1]} : vector<16xf32> to vector<1xf32>
        %squeeze3A_100 = vector.extract %slice3A_99[0] : f32 from vector<1xf32>
        %broadcast_in_dim3A_101 = vector.broadcast %squeeze3A_100 : f32 to vector<16xf32>
        %add3A_102 = arith.constant 3 : i32
        %add3A_103 = arith.addi %mul3A_72, %add3A_102 : i32
        %swap3A_104 = arith.index_cast %add3A_103 : i32 to index
        %swap3A_105 = arith.constant 0 : index
        %swap3A_106 = tpu.vector_load %arg8[%swap3A_104, %swap3A_105] {strides = array<i32>} : memref<128x16xf32, #tpu.memory_space<vmem>>, vector<1x16xf32>,
        %swap3A_107 = vector.shape_cast %swap3A_106 : vector<1x16xf32> to vector<16xf32>
        %swap3A_108 = vector.shape_cast %broadcast_in_dim3A_101 : vector<16xf32> to vector<1x16xf32>
        tpu.vector_store %arg8[%swap3A_104, %swap3A_105], %swap3A_108 {strides = array<i32>} : memref<128x16xf32, #tpu.memory_space<vmem>>, vector<1x16xf32>,
        %slice3A_109 = vector.extract_strided_slice %get3A_70 {offsets = [4], sizes = [1], strides = [1]} : vector<16xf32> to vector<1xf32>
        %squeeze3A_110 = vector.extract %slice3A_109[0] : f32 from vector<1xf32>
        %broadcast_in_dim3A_111 = vector.broadcast %squeeze3A_110 : f32 to vector<16xf32>
        %add3A_112 = arith.constant 4 : i32
        %add3A_113 = arith.addi %mul3A_72, %add3A_112 : i32
        %swap3A_114 = arith.index_cast %add3A_113 : i32 to index
        %swap3A_115 = arith.constant 0 : index
        %swap3A_116 = tpu.vector_load %arg8[%swap3A_114, %swap3A_115] {strides = array<i32>} : memref<128x16xf32, #tpu.memory_space<vmem>>, vector<1x16xf32>,
        %swap3A_117 = vector.shape_cast %swap3A_116 : vector<1x16xf32> to vector<16xf32>
        %swap3A_118 = vector.shape_cast %broadcast_in_dim3A_111 : vector<16xf32> to vector<1x16xf32>
        tpu.vector_store %arg8[%swap3A_114, %swap3A_115], %swap3A_118 {strides = array<i32>} : memref<128x16xf32, #tpu.memory_space<vmem>>, vector<1x16xf32>,
        %slice3A_119 = vector.extract_strided_slice %get3A_70 {offsets = [5], sizes = [1], strides = [1]} : vector<16xf32> to vector<1xf32>
        %squeeze3A_120 = vector.extract %slice3A_119[0] : f32 from vector<1xf32>
        %broadcast_in_dim3A_121 = vector.broadcast %squeeze3A_120 : f32 to vector<16xf32>
        %add3A_122 = arith.constant 5 : i32
        %add3A_123 = arith.addi %mul3A_72, %add3A_122 : i32
        %swap3A_124 = arith.index_cast %add3A_123 : i32 to index
        %swap3A_125 = arith.constant 0 : index
        %swap3A_126 = tpu.vector_load %arg8[%swap3A_124, %swap3A_125] {strides = array<i32>} : memref<128x16xf32, #tpu.memory_space<vmem>>, vector<1x16xf32>,
        %swap3A_127 = vector.shape_cast %swap3A_126 : vector<1x16xf32> to vector<16xf32>
        %swap3A_128 = vector.shape_cast %broadcast_in_dim3A_121 : vector<16xf32> to vector<1x16xf32>
        tpu.vector_store %arg8[%swap3A_124, %swap3A_125], %swap3A_128 {strides = array<i32>} : memref<128x16xf32, #tpu.memory_space<vmem>>, vector<1x16xf32>,
        %slice3A_129 = vector.extract_strided_slice %get3A_70 {offsets = [6], sizes = [1], strides = [1]} : vector<16xf32> to vector<1xf32>
        %squeeze3A_130 = vector.extract %slice3A_129[0] : f32 from vector<1xf32>
        %broadcast_in_dim3A_131 = vector.broadcast %squeeze3A_130 : f32 to vector<16xf32>
        %add3A_132 = arith.constant 6 : i32
        %add3A_133 = arith.addi %mul3A_72, %add3A_132 : i32
        %swap3A_134 = arith.index_cast %add3A_133 : i32 to index
        %swap3A_135 = arith.constant 0 : index
        %swap3A_136 = tpu.vector_load %arg8[%swap3A_134, %swap3A_135] {strides = array<i32>} : memref<128x16xf32, #tpu.memory_space<vmem>>, vector<1x16xf32>,
        %swap3A_137 = vector.shape_cast %swap3A_136 : vector<1x16xf32> to vector<16xf32>
        %swap3A_138 = vector.shape_cast %broadcast_in_dim3A_131 : vector<16xf32> to vector<1x16xf32>
        tpu.vector_store %arg8[%swap3A_134, %swap3A_135], %swap3A_138 {strides = array<i32>} : memref<128x16xf32, #tpu.memory_space<vmem>>, vector<1x16xf32>,
        %slice3A_139 = vector.extract_strided_slice %get3A_70 {offsets = [7], sizes = [1], strides = [1]} : vector<16xf32> to vector<1xf32>
        %squeeze3A_140 = vector.extract %slice3A_139[0] : f32 from vector<1xf32>
        %broadcast_in_dim3A_141 = vector.broadcast %squeeze3A_140 : f32 to vector<16xf32>
        %add3A_142 = arith.constant 7 : i32
        %add3A_143 = arith.addi %mul3A_72, %add3A_142 : i32
        %swap3A_144 = arith.index_cast %add3A_143 : i32 to index
        %swap3A_145 = arith.constant 0 : index
        %swap3A_146 = tpu.vector_load %arg8[%swap3A_144, %swap3A_145] {strides = array<i32>} : memref<128x16xf32, #tpu.memory_space<vmem>>, vector<1x16xf32>,
        %swap3A_147 = vector.shape_cast %swap3A_146 : vector<1x16xf32> to vector<16xf32>
        %swap3A_148 = vector.shape_cast %broadcast_in_dim3A_141 : vector<16xf32> to vector<1x16xf32>
        tpu.vector_store %arg8[%swap3A_144, %swap3A_145], %swap3A_148 {strides = array<i32>} : memref<128x16xf32, #tpu.memory_space<vmem>>, vector<1x16xf32>,
        %slice3A_149 = vector.extract_strided_slice %get3A_70 {offsets = [8], sizes = [1], strides = [1]} : vector<16xf32> to vector<1xf32>
        %squeeze3A_150 = vector.extract %slice3A_149[0] : f32 from vector<1xf32>
        %broadcast_in_dim3A_151 = vector.broadcast %squeeze3A_150 : f32 to vector<16xf32>
        %add3A_152 = arith.constant 8 : i32
        %add3A_153 = arith.addi %mul3A_72, %add3A_152 : i32
        %swap3A_154 = arith.index_cast %add3A_153 : i32 to index
        %swap3A_155 = arith.constant 0 : index
        %swap3A_156 = tpu.vector_load %arg8[%swap3A_154, %swap3A_155] {strides = array<i32>} : memref<128x16xf32, #tpu.memory_space<vmem>>, vector<1x16xf32>,
        %swap3A_157 = vector.shape_cast %swap3A_156 : vector<1x16xf32> to vector<16xf32>
        %swap3A_158 = vector.shape_cast %broadcast_in_dim3A_151 : vector<16xf32> to vector<1x16xf32>
        tpu.vector_store %arg8[%swap3A_154, %swap3A_155], %swap3A_158 {strides = array<i32>} : memref<128x16xf32, #tpu.memory_space<vmem>>, vector<1x16xf32>,
        %slice3A_159 = vector.extract_strided_slice %get3A_70 {offsets = [9], sizes = [1], strides = [1]} : vector<16xf32> to vector<1xf32>
        %squeeze3A_160 = vector.extract %slice3A_159[0] : f32 from vector<1xf32>
        %broadcast_in_dim3A_161 = vector.broadcast %squeeze3A_160 : f32 to vector<16xf32>
        %add3A_162 = arith.constant 9 : i32
        %add3A_163 = arith.addi %mul3A_72, %add3A_162 : i32
        %swap3A_164 = arith.index_cast %add3A_163 : i32 to index
        %swap3A_165 = arith.constant 0 : index
        %swap3A_166 = tpu.vector_load %arg8[%swap3A_164, %swap3A_165] {strides = array<i32>} : memref<128x16xf32, #tpu.memory_space<vmem>>, vector<1x16xf32>,
        %swap3A_167 = vector.shape_cast %swap3A_166 : vector<1x16xf32> to vector<16xf32>
        %swap3A_168 = vector.shape_cast %broadcast_in_dim3A_161 : vector<16xf32> to vector<1x16xf32>
        tpu.vector_store %arg8[%swap3A_164, %swap3A_165], %swap3A_168 {strides = array<i32>} : memref<128x16xf32, #tpu.memory_space<vmem>>, vector<1x16xf32>,
        %slice3A_169 = vector.extract_strided_slice %get3A_70 {offsets = [10], sizes = [1], strides = [1]} : vector<16xf32> to vector<1xf32>
        %squeeze3A_170 = vector.extract %slice3A_169[0] : f32 from vector<1xf32>
        %broadcast_in_dim3A_171 = vector.broadcast %squeeze3A_170 : f32 to vector<16xf32>
        %add3A_172 = arith.constant 10 : i32
        %add3A_173 = arith.addi %mul3A_72, %add3A_172 : i32
        %swap3A_174 = arith.index_cast %add3A_173 : i32 to index
        %swap3A_175 = arith.constant 0 : index
        %swap3A_176 = tpu.vector_load %arg8[%swap3A_174, %swap3A_175] {strides = array<i32>} : memref<128x16xf32, #tpu.memory_space<vmem>>, vector<1x16xf32>,
        %swap3A_177 = vector.shape_cast %swap3A_176 : vector<1x16xf32> to vector<16xf32>
        %swap3A_178 = vector.shape_cast %broadcast_in_dim3A_171 : vector<16xf32> to vector<1x16xf32>
        tpu.vector_store %arg8[%swap3A_174, %swap3A_175], %swap3A_178 {strides = array<i32>} : memref<128x16xf32, #tpu.memory_space<vmem>>, vector<1x16xf32>,
        %slice3A_179 = vector.extract_strided_slice %get3A_70 {offsets = [11], sizes = [1], strides = [1]} : vector<16xf32> to vector<1xf32>
        %squeeze3A_180 = vector.extract %slice3A_179[0] : f32 from vector<1xf32>
        %broadcast_in_dim3A_181 = vector.broadcast %squeeze3A_180 : f32 to vector<16xf32>
        %add3A_182 = arith.constant 11 : i32
        %add3A_183 = arith.addi %mul3A_72, %add3A_182 : i32
        %swap3A_184 = arith.index_cast %add3A_183 : i32 to index
        %swap3A_185 = arith.constant 0 : index
        %swap3A_186 = tpu.vector_load %arg8[%swap3A_184, %swap3A_185] {strides = array<i32>} : memref<128x16xf32, #tpu.memory_space<vmem>>, vector<1x16xf32>,
        %swap3A_187 = vector.shape_cast %swap3A_186 : vector<1x16xf32> to vector<16xf32>
        %swap3A_188 = vector.shape_cast %broadcast_in_dim3A_181 : vector<16xf32> to vector<1x16xf32>
        tpu.vector_store %arg8[%swap3A_184, %swap3A_185], %swap3A_188 {strides = array<i32>} : memref<128x16xf32, #tpu.memory_space<vmem>>, vector<1x16xf32>,
        %slice3A_189 = vector.extract_strided_slice %get3A_70 {offsets = [12], sizes = [1], strides = [1]} : vector<16xf32> to vector<1xf32>
        %squeeze3A_190 = vector.extract %slice3A_189[0] : f32 from vector<1xf32>
        %broadcast_in_dim3A_191 = vector.broadcast %squeeze3A_190 : f32 to vector<16xf32>
        %add3A_192 = arith.constant 12 : i32
        %add3A_193 = arith.addi %mul3A_72, %add3A_192 : i32
        %swap3A_194 = arith.index_cast %add3A_193 : i32 to index
        %swap3A_195 = arith.constant 0 : index
        %swap3A_196 = tpu.vector_load %arg8[%swap3A_194, %swap3A_195] {strides = array<i32>} : memref<128x16xf32, #tpu.memory_space<vmem>>, vector<1x16xf32>,
        %swap3A_197 = vector.shape_cast %swap3A_196 : vector<1x16xf32> to vector<16xf32>
        %swap3A_198 = vector.shape_cast %broadcast_in_dim3A_191 : vector<16xf32> to vector<1x16xf32>
        tpu.vector_store %arg8[%swap3A_194, %swap3A_195], %swap3A_198 {strides = array<i32>} : memref<128x16xf32, #tpu.memory_space<vmem>>, vector<1x16xf32>,
        %slice3A_199 = vector.extract_strided_slice %get3A_70 {offsets = [13], sizes = [1], strides = [1]} : vector<16xf32> to vector<1xf32>
        %squeeze3A_200 = vector.extract %slice3A_199[0] : f32 from vector<1xf32>
        %broadcast_in_dim3A_201 = vector.broadcast %squeeze3A_200 : f32 to vector<16xf32>
        %add3A_202 = arith.constant 13 : i32
        %add3A_203 = arith.addi %mul3A_72, %add3A_202 : i32
        %swap3A_204 = arith.index_cast %add3A_203 : i32 to index
        %swap3A_205 = arith.constant 0 : index
        %swap3A_206 = tpu.vector_load %arg8[%swap3A_204, %swap3A_205] {strides = array<i32>} : memref<128x16xf32, #tpu.memory_space<vmem>>, vector<1x16xf32>,
        %swap3A_207 = vector.shape_cast %swap3A_206 : vector<1x16xf32> to vector<16xf32>
        %swap3A_208 = vector.shape_cast %broadcast_in_dim3A_201 : vector<16xf32> to vector<1x16xf32>
        tpu.vector_store %arg8[%swap3A_204, %swap3A_205], %swap3A_208 {strides = array<i32>} : memref<128x16xf32, #tpu.memory_space<vmem>>, vector<1x16xf32>,
        %slice3A_209 = vector.extract_strided_slice %get3A_70 {offsets = [14], sizes = [1], strides = [1]} : vector<16xf32> to vector<1xf32>
        %squeeze3A_210 = vector.extract %slice3A_209[0] : f32 from vector<1xf32>
        %broadcast_in_dim3A_211 = vector.broadcast %squeeze3A_210 : f32 to vector<16xf32>
        %add3A_212 = arith.constant 14 : i32
        %add3A_213 = arith.addi %mul3A_72, %add3A_212 : i32
        %swap3A_214 = arith.index_cast %add3A_213 : i32 to index
        %swap3A_215 = arith.constant 0 : index
        %swap3A_216 = tpu.vector_load %arg8[%swap3A_214, %swap3A_215] {strides = array<i32>} : memref<128x16xf32, #tpu.memory_space<vmem>>, vector<1x16xf32>,
        %swap3A_217 = vector.shape_cast %swap3A_216 : vector<1x16xf32> to vector<16xf32>
        %swap3A_218 = vector.shape_cast %broadcast_in_dim3A_211 : vector<16xf32> to vector<1x16xf32>
        tpu.vector_store %arg8[%swap3A_214, %swap3A_215], %swap3A_218 {strides = array<i32>} : memref<128x16xf32, #tpu.memory_space<vmem>>, vector<1x16xf32>,
        %slice3A_219 = vector.extract_strided_slice %get3A_70 {offsets = [15], sizes = [1], strides = [1]} : vector<16xf32> to vector<1xf32>
        %squeeze3A_220 = vector.extract %slice3A_219[0] : f32 from vector<1xf32>
        %broadcast_in_dim3A_221 = vector.broadcast %squeeze3A_220 : f32 to vector<16xf32>
        %add3A_222 = arith.constant 15 : i32
        %add3A_223 = arith.addi %mul3A_72, %add3A_222 : i32
        %swap3A_224 = arith.index_cast %add3A_223 : i32 to index
        %swap3A_225 = arith.constant 0 : index
        %swap3A_226 = tpu.vector_load %arg8[%swap3A_224, %swap3A_225] {strides = array<i32>} : memref<128x16xf32, #tpu.memory_space<vmem>>, vector<1x16xf32>,
        %swap3A_227 = vector.shape_cast %swap3A_226 : vector<1x16xf32> to vector<16xf32>
        %swap3A_228 = vector.shape_cast %broadcast_in_dim3A_221 : vector<16xf32> to vector<1x16xf32>
        tpu.vector_store %arg8[%swap3A_224, %swap3A_225], %swap3A_228 {strides = array<i32>} : memref<128x16xf32, #tpu.memory_space<vmem>>, vector<1x16xf32>,
      }
      %scan3A_58 = arith.constant 8 : i32
      %dma_start3A_59 = arith.constant 0 : i32
      %dma_start3A_60 = tpu.memref_slice %arg5[%add3A_47, %dma_start3A_59] : memref<80x128xi32, #tpu.memory_space<vmem>> -> memref<1x128xi32, #tpu.memory_space<vmem>>
      %dma_start3A_61 = tpu.memref_squeeze %dma_start3A_60 : memref<1x128xi32, #tpu.memory_space<vmem>> -> memref<128xi32, #tpu.memory_space<vmem>>
      %dma_start3A_62 = arith.constant 0 : i32
      %dma_start3A_63 = arith.constant 0 : i32
      %dma_start3A_64 = tpu.memref_slice %arg10[%dma_start3A_62, %dma_start3A_63] : memref<10240x16xf32, #tpu.memory_space<vmem_shared>> -> memref<10240x16xf32, #tpu.memory_space<vmem_shared>>
      tpu.enqueue_indirect_dma source(%arg8 : memref<128x16xf32, #tpu.memory_space<vmem>>) target(%dma_start3A_64 : memref<10240x16xf32, #tpu.memory_space<vmem_shared>>) offsets(%dma_start3A_61 : memref<128xi32, #tpu.memory_space<vmem>>) semaphore(%arg12 : memref<!tpu.dma_semaphore, #tpu.memory_space<semaphore_mem>>) {add = true}
    }
    %scan3A_13 = arith.constant 40 : i32
    %dma_wait3A = arith.constant 78 : i32
    %dma_wait3A_14 = arith.constant 0 : i32
    %dma_wait3A_15 = tpu.memref_slice %arg5[%dma_wait3A, %dma_wait3A_14] : memref<80x128xi32, #tpu.memory_space<vmem>> -> memref<1x128xi32, #tpu.memory_space<vmem>>
    %dma_wait3A_16 = tpu.memref_squeeze %dma_wait3A_15 : memref<1x128xi32, #tpu.memory_space<vmem>> -> memref<128xi32, #tpu.memory_space<vmem>>
    %dma_wait3A_17 = arith.constant 0 : i32
    %dma_wait3A_18 = arith.constant 0 : i32
    %dma_wait3A_19 = tpu.memref_slice %arg10[%dma_wait3A_17, %dma_wait3A_18] : memref<10240x16xf32, #tpu.memory_space<vmem_shared>> -> memref<10240x16xf32, #tpu.memory_space<vmem_shared>>
    tpu.wait_indirect_dma semaphore(%arg11 : memref<!tpu.dma_semaphore, #tpu.memory_space<semaphore_mem>>) src(%arg7 : memref<128x16xf32, #tpu.memory_space<vmem>>) dst(%dma_wait3A_19 : memref<10240x16xf32, #tpu.memory_space<vmem_shared>>)
    %dma_wait3A_20 = arith.constant 79 : i32
    %dma_wait3A_21 = arith.constant 0 : i32
    %dma_wait3A_22 = tpu.memref_slice %arg5[%dma_wait3A_20, %dma_wait3A_21] : memref<80x128xi32, #tpu.memory_space<vmem>> -> memref<1x128xi32, #tpu.memory_space<vmem>>
    %dma_wait3A_23 = tpu.memref_squeeze %dma_wait3A_22 : memref<1x128xi32, #tpu.memory_space<vmem>> -> memref<128xi32, #tpu.memory_space<vmem>>
    %dma_wait3A_24 = arith.constant 0 : i32
    %dma_wait3A_25 = arith.constant 0 : i32
    %dma_wait3A_26 = tpu.memref_slice %arg10[%dma_wait3A_24, %dma_wait3A_25] : memref<10240x16xf32, #tpu.memory_space<vmem_shared>> -> memref<10240x16xf32, #tpu.memory_space<vmem_shared>>
    tpu.wait_indirect_dma semaphore(%arg12 : memref<!tpu.dma_semaphore, #tpu.memory_space<semaphore_mem>>) src(%arg8 : memref<128x16xf32, #tpu.memory_space<vmem>>) dst(%dma_wait3A_26 : memref<10240x16xf32, #tpu.memory_space<vmem_shared>>)
    %barrier3A_27 = arith.constant 0 : index
    tpu.barrier barrier_id(%barrier3A_27)
    %mul3A_28 = arith.constant 640 : i32
    %mul3A_29 = arith.muli %arg1, %mul3A_28 : i32
    "tpu.region"() ({
      %run_scoped3A = tpu.sem_alloc : memref<!tpu.dma_semaphore, #tpu.memory_space<semaphore_mem>>
      %dma_start3A = arith.constant 0 : i32
      %dma_start3A_30 = tpu.memref_slice %arg4[%arg0, %mul3A_29, %dma_start3A] : memref<2x10240x16xf32, #tpu.memory_space<hbm>> -> memref<1x640x16xf32, #tpu.memory_space<hbm>>
      %dma_start3A_31 = tpu.memref_squeeze %dma_start3A_30 : memref<1x640x16xf32, #tpu.memory_space<hbm>> -> memref<640x16xf32, #tpu.memory_space<hbm>>
      %dma_start3A_32 = arith.constant 0 : i32
      %dma_start3A_33 = tpu.memref_slice %arg10[%mul3A_29, %dma_start3A_32] : memref<10240x16xf32, #tpu.memory_space<vmem_shared>> -> memref<640x16xf32, #tpu.memory_space<vmem_shared>>
      tpu.enqueue_dma source(%dma_start3A_33 : memref<640x16xf32, #tpu.memory_space<vmem_shared>>) target(%dma_start3A_31 : memref<640x16xf32, #tpu.memory_space<hbm>>) target_semaphore(%run_scoped3A : memref<!tpu.dma_semaphore, #tpu.memory_space<semaphore_mem>>)
      %dma_wait3A_34 = arith.constant 0 : i32
      %dma_wait3A_35 = tpu.memref_slice %arg4[%arg0, %mul3A_29, %dma_wait3A_34] : memref<2x10240x16xf32, #tpu.memory_space<hbm>> -> memref<1x640x16xf32, #tpu.memory_space<hbm>>
      %dma_wait3A_36 = tpu.memref_squeeze %dma_wait3A_35 : memref<1x640x16xf32, #tpu.memory_space<hbm>> -> memref<640x16xf32, #tpu.memory_space<hbm>>
      %dma_wait3A_37 = arith.constant 0 : i32
      %dma_wait3A_38 = tpu.memref_slice %arg10[%mul3A_29, %dma_wait3A_37] : memref<10240x16xf32, #tpu.memory_space<vmem_shared>> -> memref<640x16xf32, #tpu.memory_space<vmem_shared>>
      tpu.wait_dma2 semaphore(%run_scoped3A : memref<!tpu.dma_semaphore, #tpu.memory_space<semaphore_mem>>) src(%dma_wait3A_38 : memref<640x16xf32, #tpu.memory_space<vmem_shared>>) dst(%dma_wait3A_36 : memref<640x16xf32, #tpu.memory_space<hbm>>)
      tpu.yield
    }) : () -> ()
    return
  }
}

</mosaic_0001>

<sc_bundles>
// kernel: _deg_pass.3.cloned.1.call-start
scs
__scs_entry_jumppad:
0x0: {  	(pc) =	sbr.rel $0x88, $3  }
0x1: {  	(tag) =	ssettag $0x0;
	lr =	simm.s32 $0x1  }
0x2: {  	[smem:$0x3F9F] =	sst lr;
	_ =	strace $0xD0000000  }
0x3: {  	_ = 	snop  }
0x4: {  	_ = 	snop  }
0x5: {  	_ = 	snop  }
0x6: {  	_ = 	snop  }
0x7: {  	_ = 	snop  }
__scs_overlays_trampoline_lowered:
0x8: {  	[smem:$0x3FAE] =	sst s0  }
0x9: {  	[smem:$0x3FAF] =	sst s1  }
0xa: {  	[smem:$0x3FB0] =	sst s2  }
0xb: {  	[smem:$0x3FB1] =	sst s3  }
0xc: {  	[smem:$0x3FB2] =	sst s4  }
0xd: {  	[smem:$0x3FB3] =	sst s5  }
0xe: {  	[smem:$0x3FB4] =	sst s6  }
0xf: {  	[smem:$0x3FB5] =	sst s7  }
0x10: {  	[smem:$0x3FB6] =	sst s8  }
0x11: {  	[smem:$0x3FB7] =	sst s9;
	s0 =	simm.s32 @!p0 $0x0  }
0x12: {  	s1 =	sld [smem:$0x3F9D];
	s0 =	simm.s32 @p0 $0x1  }
0x13: {  	[smem:$0x3FB8] =	sst s0;
	s0 =	simm.s32 @!p1 $0x0  }
0x14: {  	s2 =	sld [smem:$0x3F9C];
	s0 =	simm.s32 @p1 $0x1  }
0x15: {  	[smem:$0x3FB9] =	sst s0;
	s0 =	simm.s32 @!p2 $0x0  }
0x16: {  	s3 =	sld [smem:$0x3FDB];
	s0 =	simm.s32 @p2 $0x1  }
0x17: {  	s4 =	simm.s32 $0x1BF5;
	[smem:$0x3FBB] =	sst s0  }
0x18: {  	s0 =	sld [smem:$0x3F9E];
	_ =	swait.ge [sflag:s4], $0x0  }
0x19: {  	s7 =	sld [smem:$0x3F9F]  }
0x1a: {  	s8 =	sadd.s32 $0xFFFFE003, lr  }
0x1b: {  	s9 =	sadd.s32 $0xFFFFFEF7, lr;
	s5 =	simm.s32 $0xFFFFFFFF;
	p2 =	slt.u32 s8, $0xFFFFF086  }
0x1c: {  	p1 =	slt.u32 s9, $0xF7A;
	s5 =	simm.s32 @!p2 $0x0  }
0x1d: {  	s5 =	simm.s32 @p1 $0x1;
	p0 =	seq.s32 s7, s2  }
0x1e: {  	s7 =	smul.u32 @!p0 $0xF7A, s2;
	p2 =	seq.s32 @!p0 s5, $0x0  }
0x1f: {  	s9 =	smul.u32 $0xF7A, s1;
	s8 =	simm.s32 @!p0 $0x1BF5;
	p2 =	por !p2, p0  }
0x20: {  	[sflag:s8] =	ssyncset.s32 @!p0 $0xFFFFF086;
	s6 =	sadd.s32 @!p0 s3, s7;
	s7 =	simm.s32 @!p0 $0x108  }
0x21: {  	s3 =	sadd.s32 s3, s9;
	s6 =	sadd.s32 @!p0 $0x88, s6;
	s7 =	simm.s32 @p2 $0x1082  }
0x22: {  	[simem:s7], [sflag:s8] =	dma.local @!p0 [hbm:s6], $0xF7A  }
0x23: {  	s9 =	sor.u32 $0xD0000000, s2;
	s6 =	simm.s32 $0x108;
	_ =	swait.ge @!p0 [sflag:s8], $0x0  }
0x24: {  	s3 =	sadd.s32 $0x88, s3;
	s6 =	simm.s32 @!p1 $0x1082;
	[sflag:s4] =	ssyncset.s32 $0xFFFFF086  }
0x25: {  	[simem:s6], [sflag:s4] =	dma.local [hbm:s3], $0xF7A  }
0x26: {  	[smem:$0x3F9F] =	sst s1;
	(tag) =	ssettag s2;
	_ =	strace s9  }
0x27: {  	s1 =	sld [smem:$0x3FAF]  }
0x28: {  	s2 =	sld [smem:$0x3FB0]  }
0x29: {  	s4 =	sld [smem:$0x3FB2]  }
0x2a: {  	p0 =	seq.s32 s5, $0x0;
	s5 =	sld [smem:$0x3FB3]  }
0x2b: {  	s6 =	sld [smem:$0x3FB4]  }
0x2c: {  	s7 =	sld [smem:$0x3FB5]  }
0x2d: {  	s3 =	simm.s32 $0x108;
	s8 =	sld [smem:$0x3FB6]  }
0x2e: {  	s3 =	simm.s32 @!p0 $0x1082;
	s9 =	sld [smem:$0x3FB7]  }
0x2f: {  	lr =	sadd.s32 s0, s3;
	s0 =	sld [smem:$0x3FAE]  }
0x30: {  	s3 =	sld [smem:$0x3FB1]  }
0x31: {  	[smem:$0x3FBA] =	sst s10  }
0x32: {  	s10 =	sld [smem:$0x3FB8];
	_ =	sdelay $0x3  }
0x33: {  	p0 =	seq.s32 s10, $0x1;
	s10 =	sld [smem:$0x3FBA];
	_ =	sdelay $0x3  }
0x34: {  	[smem:$0x3FBA] =	sst s10  }
0x35: {  	s10 =	sld [smem:$0x3FB9];
	_ =	sdelay $0x3  }
0x36: {  	p1 =	seq.s32 s10, $0x1;
	s10 =	sld [smem:$0x3FBA];
	_ =	sdelay $0x3  }
0x37: {  	[smem:$0x3FBA] =	sst s10  }
0x38: {  	s10 =	sld [smem:$0x3FBB]  }
0x39: {  	_ = 	snop;
	(pc) =	sbr.ind lr, $3  }
0x3a: {  	_ = 	snop  }
0x3b: {  	_ = 	snop  }
0x3c: {  	p2 =	seq.s32 s10, $0x1;
	s10 =	sld [smem:$0x3FBA]  }
0x3d: {  	_ =	shalt  }
0x3e: {  	_ =	shalt  }
0x3f: {  	_ =	shalt  }
0x40: {  	_ =	shalt  }
0x41: {  	_ =	shalt  }
0x42: {  	_ =	shalt  }
0x43: {  	_ =	shalt  }
0x44: {  	_ =	shalt  }
0x45: {  	_ =	shalt  }
0x46: {  	_ =	shalt  }
0x47: {  	_ =	shalt  }
0x48: {  	_ =	shalt  }
0x49: {  	_ =	shalt  }
0x4a: {  	_ =	shalt  }
0x4b: {  	_ =	shalt  }
0x4c: {  	_ =	shalt  }
0x4d: {  	_ =	shalt  }
0x4e: {  	_ =	shalt  }
0x4f: {  	_ =	shalt  }
0x50: {  	_ =	shalt  }
0x51: {  	_ =	shalt  }
0x52: {  	_ =	shalt  }
0x53: {  	_ =	shalt  }
0x54: {  	_ =	shalt  }
0x55: {  	_ =	shalt  }
0x56: {  	_ =	shalt  }
0x57: {  	_ =	shalt  }
0x58: {  	_ =	shalt  }
0x59: {  	_ =	shalt  }
0x5a: {  	_ =	shalt  }
0x5b: {  	_ =	shalt  }
0x5c: {  	_ =	shalt  }
0x5d: {  	_ =	shalt  }
0x5e: {  	_ =	shalt  }
0x5f: {  	_ =	shalt  }
0x60: {  	_ =	shalt  }
0x61: {  	_ =	shalt  }
0x62: {  	_ =	shalt  }
0x63: {  	_ =	shalt  }
0x64: {  	_ =	shalt  }
0x65: {  	_ =	shalt  }
0x66: {  	_ =	shalt  }
0x67: {  	_ =	shalt  }
0x68: {  	_ =	shalt  }
0x69: {  	_ =	shalt  }
0x6a: {  	_ =	shalt  }
0x6b: {  	_ =	shalt  }
0x6c: {  	_ =	shalt  }
0x6d: {  	_ =	shalt  }
0x6e: {  	_ =	shalt  }
0x6f: {  	_ =	shalt  }
0x70: {  	_ =	shalt  }
0x71: {  	_ =	shalt  }
0x72: {  	_ =	shalt  }
0x73: {  	_ =	shalt  }
0x74: {  	_ =	shalt  }
0x75: {  	_ =	shalt  }
0x76: {  	_ =	shalt  }
0x77: {  	_ =	shalt  }
0x78: {  	_ =	shalt  }
0x79: {  	_ =	shalt  }
0x7a: {  	_ =	shalt  }
0x7b: {  	_ =	shalt  }
0x7c: {  	_ =	shalt  }
0x7d: {  	_ =	shalt  }
0x7e: {  	_ =	shalt  }
0x7f: {  	_ =	shalt  }
0x80: {  	_ =	shalt  }
0x81: {  	_ =	shalt  }
0x82: {  	_ =	shalt  }
0x83: {  	_ =	shalt  }
0x84: {  	_ =	shalt  }
0x85: {  	_ =	shalt  }
0x86: {  	_ =	shalt  }
0x87: {  	_ =	shalt  }
.Lfunc_end0:
.L_simem_size_0:
called_computation_lowered:
.L_overlay_start_0:
0x88: {  	s2 =	sld [smem:$0x3FD9]  }
0x89: {  	s3 =	sld [smem:$0x3FFE];
	_ =	sdelay $0x1  }
0x8a: {  	s1 =	srdreg.scid  }
0x8b: {  	s0 =	sand.u32 $0x1, s1  }
0x8c: {  	s18 =	sshll.u32 s0, $0xA;
	s2 =	sadd.s32 s3, s2  }
0x8d: {  	s2 =	sadd.s32 s2, s18  }
0x8e: {  	[smem:$0x3FC6] =	sst s2  }
0x8f: {  	_ = 	snop  }
0x90: {  	s2 =	sld [smem:$0x3FC9]  }
0x91: {  	s19 =	sld [smem:$0x3FC8]  }
0x92: {  	s4 =	sld [smem:$0x3FD0];
	(tm) =	ssettm $0x1  }
0x93: {  	s5 =	sld [smem:$0x3FFB];
	_ =	sdelay $0x3  }
0x94: {  	_ =	strace s5  }
0x95: {  	s5 =	sld [smem:$0x3FFC];
	_ =	sdelay $0x3  }
0x96: {  	_ =	strace s5  }
0x97: {  	s5 =	sld [smem:$0x3FFD];
	_ =	sdelay $0x3  }
0x98: {  	_ =	strace s5  }
0x99: {  	_ =	strace $0x8FFFFFFF  }
0x9a: {  	s20 =	sld [smem:$0x3FDB];
	_ =	sdelay $0x1  }
0x9b: {  	s6 =	simm.s32 $_scs_section_size  }
0x9c: {  	s7 =	simm.s32 $_size__tile_overlayer_lowered;
	s8 =	simm.s32 $_tile_overlayer_lowered  }
0x9d: {  	s23 =	simm.s32 $0x1BFF;
	s22 =	sshll.u32 s8, $0x1;
	s5 =	sadd.s32 s6, s20  }
0x9e: {  	s9 =	simm.s32 $0x0;
	s21 =	sshll.u32 s7, $0x1;
	s7 =	sadd.s32 s22, s5  }
0x9f: {  	[timem:s9], [sflag:s23] =	dma.local [hbm:s7], s21  }
0xa0: {  	_ =	swait.ge [sflag:s23], s21  }
0xa1: {  	s6 =	ssub.s32 $0x0, s21;
	[sflag:s23] =	ssyncset.done $0x0  }
0xa2: {  	[sflag:s23] =	ssyncadd.s32 s6;
	_ =	sdelay $0x1  }
0xa3: {  	s24 =	simm.s32 $0x1B8B  }
0xa4: {  	_ =	swait.ge [sflag:s24], $0x1  }
0xa5: {  	[sflag:s24] =	ssyncset.done $0x0  }
0xa6: {  	s25 =	simm.s32 $0x1B8E;
	[sflag:s24] =	ssyncadd.s32 $0xFFFFFFFF  }
0xa7: {  	s26 =	simm.s32 $execute0_lowered;
	[smem:$0x3FD2] =	sst s25  }
0xa8: {  	s6 =	sshll.u32 s26, $0x1;
	_ =	strace $0x80000046;
	[dreg:$0x1] =	wrdreg $0xFFFFFFFF  }
0xa9: {  	s28 =	simm.s32 $_size_execute0_lowered;
	s5 =	sadd.s32 s5, s6;
	[dreg:$0x0] =	wrdreg $0x0  }
0xaa: {  	s6 =	sshll.u32 s28, $0x1;
	[dreg:$0x2] =	wrdreg s5  }
0xab: {  	[dreg:$0x3] =	wrdreg s6  }
0xac: {  	[dreg:$0x4] =	wrdreg $0xC0  }
0xad: {  	_ =	task [dreg:s9], $0x5FFFF  }
0xae: {  	[dreg:$0x1] =	wrdreg $0xFFFFFFFF  }
0xaf: {  	[dreg:$0x0] =	wrdreg $0x60  }
0xb0: {  	[dreg:$0x2] =	wrdreg s2  }
0xb1: {  	[dreg:$0x3] =	wrdreg s19  }
0xb2: {  	[dreg:$0x4] =	wrdreg s4  }
0xb3: {  	[dreg:$0x5] =	wrdreg $0x88000  }
0xb4: {  	[dreg:$0x6] =	wrdreg $0x9  }
0xb5: {  	_ =	task.clear_ibuf [dreg:s9], $0x7FFFF;
	_ =	strace $0x90000046  }
0xb6: {  	s29 =	simm.s32 $0x9;
	_ =	strace $0x80000048  }
0xb7: {  	_ =	swait.ge [sflag:s29], $0x1  }
0xb8: {  	[sflag:s29] =	ssyncadd.s32 $0xFFFFFFFF  }
0xb9: {  	_ =	strace $0x90000048  }
0xba: {  	_ =	sfence  }
0xbb: {  	s30 =	sld [smem:$0x0];
	_ =	sdelay $0x2  }
0xbc: {  	s31 =	sshll.u32 s1, $0xD;
	s1 =	sshrl.u32 s1, $0x2  }
0xbd: {  	s3 =	sand.u32 $0x4000, s31;
	s1 =	sadd.s32 s1, s30  }
0xbe: {  	s0 =	sor.u32 s3, s0;
	s1 =	sshll.u32 s1, $0x11  }
0xbf: {  	s0 =	sor.u32 s1, s0  }
0xc0: {  	s0 =	sadd.s32 $0x8F2B, s0  }
0xc1: {  	[sflag:s0] =	ssyncadd.remote.s32 $0x1  }
0xc2: {  	_ =	sfence.sel $0xFFFF  }
0xc3: {  	[dreg:$0x0] =	wrdreg $0xFFFFFFFF;
	(pc) =	sbr.abs _section_cstart, $3  }
0xc4: {  	[dreg:$0x1] =	wrdreg $0xFFFFFFFF  }
0xc5: {  	_ =	task.clear_ibuf [dreg:s9], $0x2FFFF;
	_ =	strace $0x9FFFFFFF  }
0xc6: {  	(tm) =	ssettm $0x7FFFFFFF  }
0xc7: {  	_ =	shalt  }
tec
execute0_lowered:
.L_overlay_start_1:
0x0: {  	(tag) =	ssettag $0x1  }
0x1: {  	s5 =	rddreg [dreg:$0x0]  }
0x2: {  	s6 =	rddreg [dreg:$0x1]  }
0x3: {  	s7 =	rddreg [dreg:$0x2]  }
0x4: {  	s2 =	rddreg [dreg:$0x3]  }
0x5: {  	s0 =	rddreg [dreg:$0x4];
	s4 =	srdreg.scid  }
0x6: {  	s3 =	simm.s32 $0x0;
	s1 =	stileid.u32;
	s12 =	simm.s32 $0x5000  }
0x7: {  	s13 =	simm.s32 $0x5800;
	s14 =	simm.s32 $0x1;
	s15 =	simm.s32 $0x2  }
0x8: {  	s4 =	sand.u32 $0x1, s4;
	[smem:$0x7FF] =	sst s3;
	s9 =	smul.u32 $0x2800, s1  }
0x9: {  	s8 =	sshll.u32 s4, $0x4;
	s10 =	ssub.s32 $0x2, s4;
	s11 =	smul.u32 $0x28000, s4  }
0xa: {  	_ =	strace $0x80000047;
	s8 =	sor.u32 s1, s8;
	s30 =	sshrl.u32 s10, $0x1  }
0xb: {  	s4 =	sadd.s32 s9, s2;
	s8 =	smul.u32 $0x500, s8;
	s9 =	sadd.s32 s9, s11  }
0xc: {  	s10 =	ssub.s32 s10, s30;
	s11 =	simm.s32 $0x80;
	s31 =	sshrl.u32 s9, $0x3  }
0xd: {  	s9 =	simm.s32 $0x6000;
	s5 =	sadd.s32 s5, s8;
	s6 =	sadd.s32 s6, s8  }
0xe: {  	v0 =	vimm.f32 $0.0e+00;
	s7 =	sadd.s32 s7, s31;
	s8 =	smax.u32 s10, $0x1;
	s10 =	simm.s32 $0x3  }
.LBB2_1:
0xf: {  	s16 =	simm.s32 $0x40;
	s17 =	simm.s32 $0x0  }
.LBB2_2:
0x10: {  	p0 =	sne.s32 s16, $0x9FC0;
	[tilespmem:s17+$0x6000] =	vst v0;
	s17 =	smov.u32 s16;
	s16 =	sadd.s32 $0x40, s16  }
.Ltmp0:
0x11: {  	(pc) =	sbr.rel @p0 .LBB2_2-.Ltmp0, $2  }
0x12: {  	_ =	sdelay $0x2  }
0x13: {  	s17 =	sshra.s32 s17, $0x2  }
0x14: {  	[tilespmem:s17+$0x6000] =	vst v0  }
0x15: {  	[spmem:s4] =	stream.linear.scatter [tilespmem:s9], [sflag:$0x3], $0x2800, $0x38;
	[tilespmem:$0xB000] =	vst v63  }
0x16: {  	_ =	swait.ge [sflag:s10], $0x2800  }
0x17: {  	[sflag:s10] =	ssyncset.done $0x0  }
0x18: {  	s16 =	simm.s32 $0x0;
	[sflag:s10] =	ssyncadd.s32 $0xFFFFD800  }
0x19: {  	[tilespmem:s16], [sflag:$0x3] =	stream.linear.gather [hbm4b:s5+s16], $0x2800, $0x38;
	[tilespmem:$0xB000] =	vst v63  }
0x1a: {  	_ =	swait.ge [sflag:s10], $0x2800  }
0x1b: {  	[sflag:s10] =	ssyncset.done $0x0  }
0x1c: {  	s17 =	simm.s32 $0x2800;
	[sflag:s10] =	ssyncadd.s32 $0xFFFFD800  }
0x1d: {  	[tilespmem:s17], [sflag:$0x3] =	stream.linear.gather [hbm4b:s6+s16], $0x2800, $0x38;
	[tilespmem:$0xB000] =	vst v63  }
0x1e: {  	_ =	swait.ge [sflag:s10], $0x2800  }
0x1f: {  	[sflag:s10] =	ssyncset.done $0x0  }
0x20: {  	[sflag:s10] =	ssyncadd.s32 $0xFFFFD800  }
0x21: {  	s18 =	simm.s32 $0x2880;
	[bflag:$0x0] =	sbarrier.arrive $0xFFFF  }
.LBB2_4:
0x22: {  	p0 =	seq.s32 s16, $0x0;
	v1 =	vmov s17  }
0x23: {  	s19 =	simm.s32 @!p0 $0x1  }
0x24: {  	_ =	swait.ge @!p0 [sflag:s19], $0x800  }
0x25: {  	[sflag:s19] =	ssyncset.done @!p0 $0x0  }
0x26: {  	s31 =	simm.s32 $0x0;
	[sflag:s19] =	ssyncadd.s32 @!p0 $0xFFFFF800  }
0x27: {  	v2 =	vld.idx.msk [tilespmem:v1+s31+$0x0 ss:$0x1], $0xffff;
	_ =	sdelay $0x4  }
0x28: {  	v3 =	vbroadcast v2, $0x0  }
0x29: {  	s20 =	simm.s32 $0x5080;
	v4 =	vbroadcast v2, $0x1  }
0x2a: {  	v5 =	vbroadcast v2, $0x2;
	[tilespmem:s20+$0xFFFFFF80] =	vst v3  }
0x2b: {  	v56 =	vbroadcast v2, $0x4;
	[tilespmem:s20+$0xFFFFFF90] =	vst v4  }
0x2c: {  	v57 =	vbroadcast v2, $0x5;
	[tilespmem:s20+$0xFFFFFFA0] =	vst v5  }
0x2d: {  	v58 =	vbroadcast v2, $0x7;
	[tilespmem:s20+$0xFFFFFFC0] =	vst v56  }
0x2e: {  	v59 =	vbroadcast v2, $0x8;
	[tilespmem:s20+$0xFFFFFFD0] =	vst v57  }
0x2f: {  	v60 =	vbroadcast v2, $0xA;
	[tilespmem:s20+$0xFFFFFFF0] =	vst v58  }
0x30: {  	v3 =	vbroadcast v2, $0x3;
	[tilespmem:s20+$0x0] =	vst v59  }
0x31: {  	v61 =	vbroadcast v2, $0xB;
	[tilespmem:s20+$0x20] =	vst v60  }
0x32: {  	[tilespmem:s20+$0xFFFFFFB0] =	vst v3;
	v3 =	vbroadcast v2, $0x6  }
0x33: {  	v62 =	vbroadcast v2, $0xD;
	[tilespmem:s20+$0x30] =	vst v61  }
0x34: {  	[tilespmem:s20+$0xFFFFFFE0] =	vst v3;
	v3 =	vbroadcast v2, $0x9  }
0x35: {  	v63 =	vbroadcast v2, $0xE;
	[tilespmem:s20+$0x50] =	vst v62  }
0x36: {  	[tilespmem:s20+$0x10] =	vst v3;
	v3 =	vbroadcast v2, $0xC  }
0x37: {  	[tilespmem:s20+$0x60] =	vst v63;
	v2 =	vbroadcast v2, $0xF  }
0x38: {  	[tilespmem:s20+$0x40] =	vst v3  }
0x39: {  	s22 =	simm.s32 $0x10;
	s21 =	simm.s32 $0x80;
	s19 =	sshll.u32 s16, $0xA;
	[tilespmem:s20+$0x70] =	vst v2  }
.LBB2_5:
0x3a: {  	p1 =	sne.s32 s21, $0x1C0;
	v2 =	vld.idx.msk [tilespmem:v1+s22+$0x0 ss:$0x1], $0xffff;
	_ =	sdelay $0x5  }
0x3b: {  	v3 =	vbroadcast v2, $0x0;
	v4 =	vbroadcast v2, $0x1  }
0x3c: {  	s20 =	sadd.s32 $0x100, s20;
	v5 =	vbroadcast v2, $0x2;
	v6 =	vbroadcast v2, $0x3  }
0x3d: {  	v7 =	vbroadcast v2, $0x5;
	[tilespmem:s20+$0xFFFFFF80] =	vst v3;
	v3 =	vbroadcast v2, $0x4  }
0x3e: {  	v8 =	vbroadcast v2, $0x7;
	[tilespmem:s20+$0xFFFFFF90] =	vst v4;
	v4 =	vbroadcast v2, $0x6  }
0x3f: {  	v9 =	vbroadcast v2, $0x9;
	[tilespmem:s20+$0xFFFFFFA0] =	vst v5;
	v5 =	vbroadcast v2, $0x8  }
0x40: {  	v10 =	vbroadcast v2, $0xB;
	[tilespmem:s20+$0xFFFFFFB0] =	vst v6;
	v6 =	vbroadcast v2, $0xA  }
0x41: {  	v11 =	vbroadcast v2, $0xD;
	[tilespmem:s20+$0xFFFFFFC0] =	vst v3;
	v3 =	vbroadcast v2, $0xC  }
0x42: {  	[tilespmem:s20+$0xFFFFFFD0] =	vst v7;
	v7 =	vbroadcast v2, $0xE;
	v2 =	vbroadcast v2, $0xF  }
0x43: {  	[tilespmem:s20+$0xFFFFFFE0] =	vst v4  }
0x44: {  	[tilespmem:s20+$0xFFFFFFF0] =	vst v8  }
0x45: {  	[tilespmem:s20+$0x0] =	vst v5  }
0x46: {  	[tilespmem:s20+$0x10] =	vst v9  }
0x47: {  	[tilespmem:s20+$0x20] =	vst v6  }
.Ltmp1:
0x48: {  	[tilespmem:s20+$0x30] =	vst v10;
	(pc) =	sbr.rel @p1 .LBB2_5-.Ltmp1, $4  }
0x49: {  	[tilespmem:s20+$0x40] =	vst v3  }
0x4a: {  	[tilespmem:s20+$0x50] =	vst v11  }
0x4b: {  	[tilespmem:s20+$0x60] =	vst v7  }
0x4c: {  	s22 =	sshra.s32 s21, $0x2;
	s21 =	sadd.s32 $0x40, s21;
	[tilespmem:s20+$0x70] =	vst v2  }
0x4d: {  	_ =	sdelay $0x3  }
0x4e: {  	v1 =	vld.idx.msk [tilespmem:v1+s22+$0x0 ss:$0x1], $0xffff;
	_ =	sdelay $0x4  }
0x4f: {  	v2 =	vbroadcast v1, $0x0  }
0x50: {  	s20 =	sadd.s32 $0x100, s20;
	v3 =	vbroadcast v1, $0x1  }
0x51: {  	v4 =	vbroadcast v1, $0x2;
	[tilespmem:s20+$0xFFFFFF80] =	vst v2  }
0x52: {  	v51 =	vbroadcast v1, $0x5;
	[tilespmem:s20+$0xFFFFFF90] =	vst v3  }
0x53: {  	v52 =	vbroadcast v1, $0x8;
	[tilespmem:s20+$0xFFFFFFA0] =	vst v4  }
0x54: {  	v53 =	vbroadcast v1, $0xB;
	[tilespmem:s20+$0xFFFFFFD0] =	vst v51  }
0x55: {  	v54 =	vbroadcast v1, $0xE;
	[tilespmem:s20+$0x0] =	vst v52  }
0x56: {  	v2 =	vbroadcast v1, $0x3;
	[tilespmem:s20+$0x30] =	vst v53  }
0x57: {  	v3 =	vbroadcast v1, $0x4;
	[tilespmem:s20+$0x60] =	vst v54  }
0x58: {  	[tilespmem:s20+$0xFFFFFFB0] =	vst v2;
	v2 =	vbroadcast v1, $0x6  }
0x59: {  	[tilespmem:s20+$0xFFFFFFC0] =	vst v3;
	v3 =	vbroadcast v1, $0x7  }
0x5a: {  	[tilespmem:s20+$0xFFFFFFE0] =	vst v2;
	v2 =	vbroadcast v1, $0x9  }
0x5b: {  	[tilespmem:s20+$0xFFFFFFF0] =	vst v3;
	v3 =	vbroadcast v1, $0xA  }
0x5c: {  	[tilespmem:s20+$0x10] =	vst v2;
	v2 =	vbroadcast v1, $0xC  }
0x5d: {  	[tilespmem:s20+$0x20] =	vst v3;
	v3 =	vbroadcast v1, $0xD  }
0x5e: {  	v1 =	vbroadcast v1, $0xF;
	[tilespmem:s20+$0x40] =	vst v2  }
0x5f: {  	[tilespmem:s20+$0x50] =	vst v3  }
0x60: {  	s30 =	sshra.s32 s19, $0x2;
	[tilespmem:s20+$0x70] =	vst v1;
	v1 =	vmov s18;
	s20 =	simm.s32 @!p0 $0x2  }
0x61: {  	[spmem:s2] =	stream.indirect.scatter.add.f32 [tilespmem:s12], [sflag:$0x1], $0x10, s30, s11, $0xb8;
	[tilespmem:$0xB000] =	vst v63  }
0x62: {  	_ =	swait.ge @!p0 [sflag:s20], $0x800  }
0x63: {  	[sflag:s20] =	ssyncset.done @!p0 $0x0  }
0x64: {  	s31 =	simm.s32 $0x0;
	[sflag:s20] =	ssyncadd.s32 @!p0 $0xFFFFF800  }
0x65: {  	v2 =	vld.idx.msk [tilespmem:v1+s31+$0x0 ss:$0x1], $0xffff;
	_ =	sdelay $0x4  }
0x66: {  	v3 =	vbroadcast v2, $0x0  }
0x67: {  	s20 =	simm.s32 $0x5880;
	v55 =	vbroadcast v2, $0x1  }
0x68: {  	v5 =	vbroadcast v2, $0x2;
	[tilespmem:s20+$0xFFFFFF80] =	vst v3  }
0x69: {  	v56 =	vbroadcast v2, $0x4;
	[tilespmem:s20+$0xFFFFFF90] =	vst v55  }
0x6a: {  	v57 =	vbroadcast v2, $0x5;
	[tilespmem:s20+$0xFFFFFFA0] =	vst v5  }
0x6b: {  	v58 =	vbroadcast v2, $0x7;
	[tilespmem:s20+$0xFFFFFFC0] =	vst v56  }
0x6c: {  	v59 =	vbroadcast v2, $0x8;
	[tilespmem:s20+$0xFFFFFFD0] =	vst v57  }
0x6d: {  	v60 =	vbroadcast v2, $0xA;
	[tilespmem:s20+$0xFFFFFFF0] =	vst v58  }
0x6e: {  	v3 =	vbroadcast v2, $0x3;
	[tilespmem:s20+$0x0] =	vst v59  }
0x6f: {  	v61 =	vbroadcast v2, $0xB;
	[tilespmem:s20+$0x20] =	vst v60  }
0x70: {  	[tilespmem:s20+$0xFFFFFFB0] =	vst v3;
	v3 =	vbroadcast v2, $0x6  }
0x71: {  	v62 =	vbroadcast v2, $0xD;
	[tilespmem:s20+$0x30] =	vst v61  }
0x72: {  	[tilespmem:s20+$0xFFFFFFE0] =	vst v3;
	v3 =	vbroadcast v2, $0x9  }
0x73: {  	v63 =	vbroadcast v2, $0xE;
	[tilespmem:s20+$0x50] =	vst v62  }
0x74: {  	[tilespmem:s20+$0x10] =	vst v3;
	v3 =	vbroadcast v2, $0xC  }
0x75: {  	[tilespmem:s20+$0x60] =	vst v63;
	v2 =	vbroadcast v2, $0xF  }
0x76: {  	[tilespmem:s20+$0x40] =	vst v3  }
0x77: {  	s19 =	sor.u32 $0x200, s19;
	s22 =	simm.s32 $0x10;
	s21 =	simm.s32 $0x80;
	[tilespmem:s20+$0x70] =	vst v2  }
.LBB2_7:
0x78: {  	p0 =	sne.s32 s21, $0x1C0;
	v2 =	vld.idx.msk [tilespmem:v1+s22+$0x0 ss:$0x1], $0xffff;
	_ =	sdelay $0x5  }
0x79: {  	v3 =	vbroadcast v2, $0x0;
	v4 =	vbroadcast v2, $0x1  }
0x7a: {  	s20 =	sadd.s32 $0x100, s20;
	v5 =	vbroadcast v2, $0x2;
	v6 =	vbroadcast v2, $0x3  }
0x7b: {  	v7 =	vbroadcast v2, $0x5;
	[tilespmem:s20+$0xFFFFFF80] =	vst v3;
	v3 =	vbroadcast v2, $0x4  }
0x7c: {  	v8 =	vbroadcast v2, $0x7;
	[tilespmem:s20+$0xFFFFFF90] =	vst v4;
	v4 =	vbroadcast v2, $0x6  }
0x7d: {  	v9 =	vbroadcast v2, $0x9;
	[tilespmem:s20+$0xFFFFFFA0] =	vst v5;
	v5 =	vbroadcast v2, $0x8  }
0x7e: {  	v10 =	vbroadcast v2, $0xB;
	[tilespmem:s20+$0xFFFFFFB0] =	vst v6;
	v6 =	vbroadcast v2, $0xA  }
0x7f: {  	v11 =	vbroadcast v2, $0xD;
	[tilespmem:s20+$0xFFFFFFC0] =	vst v3;
	v3 =	vbroadcast v2, $0xC  }
0x80: {  	[tilespmem:s20+$0xFFFFFFD0] =	vst v7;
	v7 =	vbroadcast v2, $0xE;
	v2 =	vbroadcast v2, $0xF  }
0x81: {  	[tilespmem:s20+$0xFFFFFFE0] =	vst v4  }
0x82: {  	[tilespmem:s20+$0xFFFFFFF0] =	vst v8  }
0x83: {  	[tilespmem:s20+$0x0] =	vst v5  }
0x84: {  	[tilespmem:s20+$0x10] =	vst v9  }
0x85: {  	[tilespmem:s20+$0x20] =	vst v6  }
.Ltmp2:
0x86: {  	[tilespmem:s20+$0x30] =	vst v10;
	(pc) =	sbr.rel @p0 .LBB2_7-.Ltmp2, $4  }
0x87: {  	[tilespmem:s20+$0x40] =	vst v3  }
0x88: {  	[tilespmem:s20+$0x50] =	vst v11  }
0x89: {  	[tilespmem:s20+$0x60] =	vst v7  }
0x8a: {  	s22 =	sshra.s32 s21, $0x2;
	s21 =	sadd.s32 $0x40, s21;
	[tilespmem:s20+$0x70] =	vst v2  }
0x8b: {  	_ =	sdelay $0x3  }
0x8c: {  	v1 =	vld.idx.msk [tilespmem:v1+s22+$0x0 ss:$0x1], $0xffff;
	_ =	sdelay $0x4  }
0x8d: {  	v2 =	vbroadcast v1, $0x0  }
0x8e: {  	s20 =	sadd.s32 $0x100, s20;
	v3 =	vbroadcast v1, $0x1  }
0x8f: {  	v4 =	vbroadcast v1, $0x2;
	[tilespmem:s20+$0xFFFFFF80] =	vst v2  }
0x90: {  	v60 =	vbroadcast v1, $0x5;
	[tilespmem:s20+$0xFFFFFF90] =	vst v3  }
0x91: {  	v61 =	vbroadcast v1, $0x8;
	[tilespmem:s20+$0xFFFFFFA0] =	vst v4  }
0x92: {  	v62 =	vbroadcast v1, $0xB;
	[tilespmem:s20+$0xFFFFFFD0] =	vst v60  }
0x93: {  	v63 =	vbroadcast v1, $0xE;
	[tilespmem:s20+$0x0] =	vst v61  }
0x94: {  	v2 =	vbroadcast v1, $0x3;
	[tilespmem:s20+$0x30] =	vst v62  }
0x95: {  	v3 =	vbroadcast v1, $0x4;
	[tilespmem:s20+$0x60] =	vst v63  }
0x96: {  	[tilespmem:s20+$0xFFFFFFB0] =	vst v2;
	v2 =	vbroadcast v1, $0x6  }
0x97: {  	[tilespmem:s20+$0xFFFFFFC0] =	vst v3;
	v3 =	vbroadcast v1, $0x7  }
0x98: {  	[tilespmem:s20+$0xFFFFFFE0] =	vst v2;
	v2 =	vbroadcast v1, $0x9  }
0x99: {  	s16 =	sadd.s32 $0x1, s16;
	[tilespmem:s20+$0xFFFFFFF0] =	vst v3;
	v3 =	vbroadcast v1, $0xA  }
0x9a: {  	p0 =	sne.s32 s16, $0x28;
	[tilespmem:s20+$0x10] =	vst v2;
	v2 =	vbroadcast v1, $0xC  }
.Ltmp3:
0x9b: {  	[tilespmem:s20+$0x20] =	vst v3;
	v3 =	vbroadcast v1, $0xD;
	(pc) =	sbr.rel @p0 .LBB2_4-.Ltmp3, $4  }
0x9c: {  	v1 =	vbroadcast v1, $0xF;
	[tilespmem:s20+$0x40] =	vst v2  }
0x9d: {  	[tilespmem:s20+$0x50] =	vst v3  }
0x9e: {  	s19 =	sshra.s32 s19, $0x2;
	s17 =	sadd.s32 $0x100, s17;
	s18 =	sadd.s32 $0x100, s18;
	[tilespmem:s20+$0x70] =	vst v1  }
0x9f: {  	[spmem:s2] =	stream.indirect.scatter.add.f32 [tilespmem:s13], [sflag:$0x2], $0x10, s19, s11, $0xb8;
	[tilespmem:$0xB000] =	vst v63  }
0xa0: {  	_ =	swait.ge [sflag:s14], $0x800  }
0xa1: {  	[sflag:s14] =	ssyncset.done $0x0  }
0xa2: {  	[sflag:s14] =	ssyncadd.s32 $0xFFFFF800  }
0xa3: {  	_ =	swait.ge [sflag:s15], $0x800  }
0xa4: {  	s16 =	sshll.u32 s1, $0x6;
	s3 =	sadd.s32 $0x1, s3;
	[sflag:s15] =	ssyncset.done $0x0  }
0xa5: {  	s17 =	sshrl.u32 s4, $0x3;
	p0 =	sne.s32 s3, s8;
	[sflag:s15] =	ssyncadd.s32 $0xFFFFF800  }
.Ltmp4:
0xa6: {  	s16 =	sor.u32 $0x1C03, s16;
	[bflag:$0x0] =	sbarrier.arrive $0xFFFF;
	(pc) =	sbr.rel @p0 .LBB2_1-.Ltmp4, $4  }
0xa7: {  	[hbm:s7], [sflag:s16] =	dma.local [spmem:s17], $0x500  }
0xa8: {  	_ =	swait.ge [sflag:s10], $0x500  }
0xa9: {  	[sflag:s10] =	ssyncset.done $0x0  }
0xaa: {  	[sflag:s10] =	ssyncadd.s32 $0xFFFFFB00  }
0xab: {  	_ =	sfence.sel $0x180000  }
0xac: {  	[bflag:$0x0] =	sbarrier.arrive $0xFFFF  }
0xad: {  	p0 =	sne.s32 s1, $0x0;
	_ =	strace $0x90000047  }
0xae: {  	s0 =	sadd.s32 @!p0 $0x100000, s0;
	[bflag:$0x2] =	sbarrier.arrive $0xFFFF  }
0xaf: {  	[sflag:s0] =	ssyncadd.tile.s32 @!p0 $0x1;
	_ =	shalt  }
.Lfunc_end2:
_tile_overlayer_lowered:
.L_overlay_start_2:
0xb0: {  	(tag) =	ssettag $0x2  }
0xb1: {  	s0 =	rddreg [dreg:$0x0];
	s2 =	stileid.u32  }
0xb2: {  	s1 =	rddreg [dreg:$0x1];
	p0 =	sne.s32 s2, $0x0  }
0xb3: {  	s3 =	rddreg [dreg:$0x2];
	[bflag:$0x3] =	sbarrier.arrive $0xFFFF;
	s2 =	simm.s32 @!p0 $0x1C03  }
0xb4: {  	[timem:s3], [sflag:s2] =	dma.local @!p0 [hbm:s0], s1  }
0xb5: {  	s0 =	simm.s32 @!p0 $0x3  }
0xb6: {  	_ =	swait.ge @!p0 [sflag:s0], s1  }
0xb7: {  	s1 =	ssub.s32 @!p0 $0x0, s1;
	[sflag:s0] =	ssyncset.done @!p0 $0x0  }
0xb8: {  	[sflag:s0] =	ssyncadd.s32 @!p0 s1  }
0xb9: {  	[bflag:$0x3] =	sbarrier.arrive $0xFFFF  }
0xba: {  	_ =	shalt  }

</sc_bundles>
